<compile_context>
chip_gen: v7x
topology: tpu7x:2x2x1
jax: 0.10.2.dev20260603
libtpu: 0.0.44.dev20260713+nightly
codegen_flags: <defaults>
</compile_context>

<pallas_src>
import math

import jax
import jax.numpy as jnp
from jax import lax
from jax.experimental import pallas as pl
from jax.experimental.pallas import tpu as pltpu
from jax.experimental.pallas import tpu_sc as plsc

NUM_EMB = 1000000
DIM = 64
BATCH = 4096
SEQ = 200

NC = 2
NS = 16
NW = NC * NS
BW = BATCH // NW

NBUF = 4
L = 16


def _pe_table():
    position = jnp.arange(0.0, SEQ)[:, None]
    div_term = jnp.exp(
        jnp.arange(0.0, DIM, 2) * -(math.log(10000.0) / DIM))
    tmp = position * div_term
    pe = jnp.zeros((SEQ, DIM), dtype=jnp.float32)
    pe = pe.at[:, 0::2].set(jnp.sin(tmp))
    pe = pe.at[:, 1::2].set(jnp.cos(tmp))
    return pe


def _body(table_hbm, idxt_hbm, pe_hbm, out_hbm, idx_v, pe_v, gbuf, tbuf,
          *sems):
    gsem = sems[:NBUF]
    ssem = sems[NBUF:]
    wid = lax.axis_index("c") * NS + lax.axis_index("s")
    base = wid * BW

    pltpu.sync_copy(idxt_hbm.at[:, pl.ds(base, BW)], idx_v)
    pltpu.sync_copy(pe_hbm, pe_v)

    def issue_gather(s, p):
        pltpu.async_copy(table_hbm.at[idx_v.at[s]], gbuf.at[p], gsem[p])

    def wait_gather(s, p):
        pltpu.make_async_copy(
            table_hbm.at[idx_v.at[s]], gbuf.at[p], gsem[p]).wait()

    def issue_store(s, p):
        pltpu.async_copy(tbuf.at[p], out_hbm.at[s, :, pl.ds(base, BW)],
                         ssem[p])

    def wait_store(s, p):
        pltpu.make_async_copy(
            tbuf.at[p], out_hbm.at[s, :, pl.ds(base, BW)], ssem[p]).wait()

    for p in range(NBUF):
        issue_gather(p, p)

    lanes = lax.iota(jnp.int32, L)

    @pl.loop(0, SEQ // NBUF)
    def _sstep(ss):
        for p in range(NBUF):
            s = ss * NBUF + p

            @pl.when(s >= NBUF)
            def _():
                wait_store(s - NBUF, p)

            wait_gather(s, p)

            pe_c = [pe_v[s, pl.ds(c * L, L)] for c in range(DIM // L)]
            d_idx = [lanes + c * L for c in range(DIM // L)]

            @pl.loop(0, BW)
            def _col(b):
                b_idx = jnp.full((L,), 0, jnp.int32) + b
                for c in range(DIM // L):
                    v = gbuf[p, b, pl.ds(c * L, L)] + pe_c[c]
                    plsc.store_scatter(tbuf.at[p], [d_idx[c], b_idx], v)

            issue_store(s, p)

            @pl.when(s + NBUF < SEQ)
            def _():
                issue_gather(s + NBUF, p)

    for p in range(NBUF):
        wait_store(SEQ - NBUF + p, p)


def kernel(inputs, table):
    pe = _pe_table()
    idxt = inputs.astype(jnp.int32).T
    mesh = plsc.VectorSubcoreMesh(core_axis_name="c", subcore_axis_name="s")
    kfn = pl.kernel(
        _body,
        out_type=jax.ShapeDtypeStruct((SEQ, DIM, BATCH), jnp.float32),
        mesh=mesh,
        scratch_types=(
            [pltpu.VMEM((SEQ, BW), jnp.int32),
             pltpu.VMEM((SEQ, DIM), jnp.float32),
             pltpu.VMEM((NBUF, BW, DIM), jnp.float32),
             pltpu.VMEM((NBUF, DIM, BW), jnp.float32)]
            + [pltpu.SemaphoreType.DMA] * (2 * NBUF)),
        compiler_params=pltpu.CompilerParams(
            use_tc_tiling_on_sc=False, needs_layout_passes=False),
    )
    out_t = kfn(table, idxt, pe)
    return jnp.transpose(out_t, (2, 0, 1))

# --- scband reference (transcript-rebuilt; emitter-appended) ---
"""Pipeline reference for scband-embedding-35545149341948 (READ-ONLY COPY).

The authoritative reference and input builder live on the scoring server;
editing this copy changes nothing except your own understanding.
"""

import jax, jax.numpy as jnp
import numpy as np
import math

NUM_EMBEDDINGS = 1000000
EMBEDDING_DIM = 64
MAX_LEN = 5000
BATCH = 4096
SEQ = 200


def positional_encoding(seq_length, embedding_dim):
    position = jnp.arange(0.0, seq_length)[:, None]
    div_term = jnp.exp(jnp.arange(0.0, embedding_dim, 2) * -(math.log(10000.0) / embedding_dim))
    tmp = position * div_term
    pe = jnp.zeros((seq_length, embedding_dim), dtype=jnp.float32)
    pe = pe.at[:, 0::2].set(jnp.sin(tmp))
    pe = pe.at[:, 1::2].set(jnp.cos(tmp))
    return pe


def setup_inputs(seed: int = 0):
    key = jax.random.key(seed)
    k1, k2 = jax.random.split(key)
    inputs = jax.random.randint(k1, (BATCH, SEQ), 0, NUM_EMBEDDINGS)
    # xavier_uniform init for the embedding table
    bound = math.sqrt(6.0 / (NUM_EMBEDDINGS + EMBEDDING_DIM))
    table = jax.random.uniform(k2, (NUM_EMBEDDINGS, EMBEDDING_DIM), minval=-bound, maxval=bound, dtype=jnp.float32)
    return {"inputs": inputs, "table": table}


def reference(inputs, table):
    seq_length = inputs.shape[1]
    # PE buffer is built with maxLen/2 rows at init time
    pe = positional_encoding(MAX_LEN // 2, EMBEDDING_DIM)
    # seq_length <= maxLen branch; dropout p=0.0 is identity
    outputs = table[inputs] + pe[:seq_length]
    return outputs

if __name__ == "__main__":
    import jax
    _d = setup_inputs()
    print(jax.jit(kernel)(*tuple(_d.values())))

</pallas_src>

<mosaic_0001>
#map = affine_map<(d0, d1) -> (0, 0)>
#map1 = affine_map<(d0, d1) -> (0, 0, 0)>
module attributes {stable_mosaic.version = 14 : i64} {
  func.func @_body(%arg0: i32, %arg1: i32, %arg2: memref<1000000x64xf32, #tpu.memory_space<hbm>>, %arg3: memref<200x4096xi32, #tpu.memory_space<hbm>>, %arg4: memref<200x64xf32, #tpu.memory_space<hbm>>, %arg5: memref<200x64x4096xf32, #tpu.memory_space<hbm>>, %arg6: memref<200x128xi32, #tpu.memory_space<vmem>>, %arg7: memref<200x64xf32, #tpu.memory_space<vmem>>, %arg8: memref<4x128x64xf32, #tpu.memory_space<vmem>>, %arg9: memref<4x64x128xf32, #tpu.memory_space<vmem>>, %arg10: memref<!tpu.dma_semaphore, #tpu.memory_space<semaphore_mem>>, %arg11: memref<!tpu.dma_semaphore, #tpu.memory_space<semaphore_mem>>, %arg12: memref<!tpu.dma_semaphore, #tpu.memory_space<semaphore_mem>>, %arg13: memref<!tpu.dma_semaphore, #tpu.memory_space<semaphore_mem>>, %arg14: memref<!tpu.dma_semaphore, #tpu.memory_space<semaphore_mem>>, %arg15: memref<!tpu.dma_semaphore, #tpu.memory_space<semaphore_mem>>, %arg16: memref<!tpu.dma_semaphore, #tpu.memory_space<semaphore_mem>>, %arg17: memref<!tpu.dma_semaphore, #tpu.memory_space<semaphore_mem>>) attributes {dimension_semantics = [#tpu.dimension_semantics<core_parallel>, #tpu.dimension_semantics<subcore_parallel>], iteration_bounds = array<i64: 2, 16>, scalar_prefetch = 0 : i64, scratch_operands = 12 : i64, tpu.core_type = #tpu.core_type<sc_vector_subcore>, window_params = [{transform_indices = #map}, {transform_indices = #map}, {transform_indices = #map}, {transform_indices = #map1}]} {
    %mul3A = arith.constant 16 : i32
    %mul3A_0 = arith.muli %arg0, %mul3A : i32
    %add3A = arith.addi %mul3A_0, %arg1 : i32
    %mul3A_1 = arith.constant 128 : i32
    %mul3A_2 = arith.muli %add3A, %mul3A_1 : i32
    "tpu.region"() ({
      %run_scoped3A = tpu.sem_alloc : memref<!tpu.dma_semaphore, #tpu.memory_space<semaphore_mem>>
      %dma_start3A_117 = arith.constant 0 : i32
      %dma_start3A_118 = tpu.memref_slice %arg3[%dma_start3A_117, %mul3A_2] : memref<200x4096xi32, #tpu.memory_space<hbm>> -> memref<200x128xi32, #tpu.memory_space<hbm>>
      %dma_start3A_119 = arith.constant 0 : i32
      %dma_start3A_120 = tpu.memref_slice %arg3[%dma_start3A_119, %mul3A_2] : memref<200x4096xi32, #tpu.memory_space<hbm>> -> memref<200x128xi32, #tpu.memory_space<hbm>>
      tpu.enqueue_dma source(%dma_start3A_120 : memref<200x128xi32, #tpu.memory_space<hbm>>) target(%arg6 : memref<200x128xi32, #tpu.memory_space<vmem>>) target_semaphore(%run_scoped3A : memref<!tpu.dma_semaphore, #tpu.memory_space<semaphore_mem>>)
      %dma_wait3A_121 = arith.constant 0 : i32
      %dma_wait3A_122 = tpu.memref_slice %arg3[%dma_wait3A_121, %mul3A_2] : memref<200x4096xi32, #tpu.memory_space<hbm>> -> memref<200x128xi32, #tpu.memory_space<hbm>>
      %dma_wait3A_123 = arith.constant 0 : i32
      %dma_wait3A_124 = tpu.memref_slice %arg3[%dma_wait3A_123, %mul3A_2] : memref<200x4096xi32, #tpu.memory_space<hbm>> -> memref<200x128xi32, #tpu.memory_space<hbm>>
      tpu.wait_dma2 semaphore(%run_scoped3A : memref<!tpu.dma_semaphore, #tpu.memory_space<semaphore_mem>>) src(%dma_wait3A_124 : memref<200x128xi32, #tpu.memory_space<hbm>>) dst(%arg6 : memref<200x128xi32, #tpu.memory_space<vmem>>)
      tpu.yield
    }) : () -> ()
    "tpu.region"() ({
      %run_scoped3A = tpu.sem_alloc : memref<!tpu.dma_semaphore, #tpu.memory_space<semaphore_mem>>
      tpu.enqueue_dma source(%arg4 : memref<200x64xf32, #tpu.memory_space<hbm>>) target(%arg7 : memref<200x64xf32, #tpu.memory_space<vmem>>) target_semaphore(%run_scoped3A : memref<!tpu.dma_semaphore, #tpu.memory_space<semaphore_mem>>)
      tpu.wait_dma2 semaphore(%run_scoped3A : memref<!tpu.dma_semaphore, #tpu.memory_space<semaphore_mem>>) src(%arg4 : memref<200x64xf32, #tpu.memory_space<hbm>>) dst(%arg7 : memref<200x64xf32, #tpu.memory_space<vmem>>)
      tpu.yield
    }) : () -> ()
    %dma_start3A = arith.constant 0 : i32
    %dma_start3A_3 = arith.constant 0 : i32
    %dma_start3A_4 = arith.constant 0 : i32
    %dma_start3A_5 = arith.constant 0 : i32
    %dma_start3A_6 = tpu.memref_slice %arg8[%dma_start3A_3, %dma_start3A_4, %dma_start3A_5] : memref<4x128x64xf32, #tpu.memory_space<vmem>> -> memref<1x128x64xf32, #tpu.memory_space<vmem>>
    %dma_start3A_7 = tpu.memref_squeeze %dma_start3A_6 : memref<1x128x64xf32, #tpu.memory_space<vmem>> -> memref<128x64xf32, #tpu.memory_space<vmem>>
    %dma_start3A_8 = arith.constant 0 : i32
    %dma_start3A_9 = tpu.memref_slice %arg6[%dma_start3A, %dma_start3A_8] : memref<200x128xi32, #tpu.memory_space<vmem>> -> memref<1x128xi32, #tpu.memory_space<vmem>>
    %dma_start3A_10 = tpu.memref_squeeze %dma_start3A_9 : memref<1x128xi32, #tpu.memory_space<vmem>> -> memref<128xi32, #tpu.memory_space<vmem>>
    %dma_start3A_11 = arith.constant 0 : i32
    %dma_start3A_12 = arith.constant 0 : i32
    %dma_start3A_13 = tpu.memref_slice %arg2[%dma_start3A_11, %dma_start3A_12] : memref<1000000x64xf32, #tpu.memory_space<hbm>> -> memref<1000000x64xf32, #tpu.memory_space<hbm>>
    tpu.enqueue_indirect_dma source(%dma_start3A_13 : memref<1000000x64xf32, #tpu.memory_space<hbm>>) target(%dma_start3A_7 : memref<128x64xf32, #tpu.memory_space<vmem>>) offsets(%dma_start3A_10 : memref<128xi32, #tpu.memory_space<vmem>>) semaphore(%arg10 : memref<!tpu.dma_semaphore, #tpu.memory_space<semaphore_mem>>)
    %dma_start3A_14 = arith.constant 1 : i32
    %dma_start3A_15 = arith.constant 1 : i32
    %dma_start3A_16 = arith.constant 0 : i32
    %dma_start3A_17 = arith.constant 0 : i32
    %dma_start3A_18 = tpu.memref_slice %arg8[%dma_start3A_15, %dma_start3A_16, %dma_start3A_17] : memref<4x128x64xf32, #tpu.memory_space<vmem>> -> memref<1x128x64xf32, #tpu.memory_space<vmem>>
    %dma_start3A_19 = tpu.memref_squeeze %dma_start3A_18 : memref<1x128x64xf32, #tpu.memory_space<vmem>> -> memref<128x64xf32, #tpu.memory_space<vmem>>
    %dma_start3A_20 = arith.constant 0 : i32
    %dma_start3A_21 = tpu.memref_slice %arg6[%dma_start3A_14, %dma_start3A_20] : memref<200x128xi32, #tpu.memory_space<vmem>> -> memref<1x128xi32, #tpu.memory_space<vmem>>
    %dma_start3A_22 = tpu.memref_squeeze %dma_start3A_21 : memref<1x128xi32, #tpu.memory_space<vmem>> -> memref<128xi32, #tpu.memory_space<vmem>>
    %dma_start3A_23 = arith.constant 0 : i32
    %dma_start3A_24 = arith.constant 0 : i32
    %dma_start3A_25 = tpu.memref_slice %arg2[%dma_start3A_23, %dma_start3A_24] : memref<1000000x64xf32, #tpu.memory_space<hbm>> -> memref<1000000x64xf32, #tpu.memory_space<hbm>>
    tpu.enqueue_indirect_dma source(%dma_start3A_25 : memref<1000000x64xf32, #tpu.memory_space<hbm>>) target(%dma_start3A_19 : memref<128x64xf32, #tpu.memory_space<vmem>>) offsets(%dma_start3A_22 : memref<128xi32, #tpu.memory_space<vmem>>) semaphore(%arg11 : memref<!tpu.dma_semaphore, #tpu.memory_space<semaphore_mem>>)
    %dma_start3A_26 = arith.constant 2 : i32
    %dma_start3A_27 = arith.constant 2 : i32
    %dma_start3A_28 = arith.constant 0 : i32
    %dma_start3A_29 = arith.constant 0 : i32
    %dma_start3A_30 = tpu.memref_slice %arg8[%dma_start3A_27, %dma_start3A_28, %dma_start3A_29] : memref<4x128x64xf32, #tpu.memory_space<vmem>> -> memref<1x128x64xf32, #tpu.memory_space<vmem>>
    %dma_start3A_31 = tpu.memref_squeeze %dma_start3A_30 : memref<1x128x64xf32, #tpu.memory_space<vmem>> -> memref<128x64xf32, #tpu.memory_space<vmem>>
    %dma_start3A_32 = arith.constant 0 : i32
    %dma_start3A_33 = tpu.memref_slice %arg6[%dma_start3A_26, %dma_start3A_32] : memref<200x128xi32, #tpu.memory_space<vmem>> -> memref<1x128xi32, #tpu.memory_space<vmem>>
    %dma_start3A_34 = tpu.memref_squeeze %dma_start3A_33 : memref<1x128xi32, #tpu.memory_space<vmem>> -> memref<128xi32, #tpu.memory_space<vmem>>
    %dma_start3A_35 = arith.constant 0 : i32
    %dma_start3A_36 = arith.constant 0 : i32
    %dma_start3A_37 = tpu.memref_slice %arg2[%dma_start3A_35, %dma_start3A_36] : memref<1000000x64xf32, #tpu.memory_space<hbm>> -> memref<1000000x64xf32, #tpu.memory_space<hbm>>
    tpu.enqueue_indirect_dma source(%dma_start3A_37 : memref<1000000x64xf32, #tpu.memory_space<hbm>>) target(%dma_start3A_31 : memref<128x64xf32, #tpu.memory_space<vmem>>) offsets(%dma_start3A_34 : memref<128xi32, #tpu.memory_space<vmem>>) semaphore(%arg12 : memref<!tpu.dma_semaphore, #tpu.memory_space<semaphore_mem>>)
    %dma_start3A_38 = arith.constant 3 : i32
    %dma_start3A_39 = arith.constant 3 : i32
    %dma_start3A_40 = arith.constant 0 : i32
    %dma_start3A_41 = arith.constant 0 : i32
    %dma_start3A_42 = tpu.memref_slice %arg8[%dma_start3A_39, %dma_start3A_40, %dma_start3A_41] : memref<4x128x64xf32, #tpu.memory_space<vmem>> -> memref<1x128x64xf32, #tpu.memory_space<vmem>>
    %dma_start3A_43 = tpu.memref_squeeze %dma_start3A_42 : memref<1x128x64xf32, #tpu.memory_space<vmem>> -> memref<128x64xf32, #tpu.memory_space<vmem>>
    %dma_start3A_44 = arith.constant 0 : i32
    %dma_start3A_45 = tpu.memref_slice %arg6[%dma_start3A_38, %dma_start3A_44] : memref<200x128xi32, #tpu.memory_space<vmem>> -> memref<1x128xi32, #tpu.memory_space<vmem>>
    %dma_start3A_46 = tpu.memref_squeeze %dma_start3A_45 : memref<1x128xi32, #tpu.memory_space<vmem>> -> memref<128xi32, #tpu.memory_space<vmem>>
    %dma_start3A_47 = arith.constant 0 : i32
    %dma_start3A_48 = arith.constant 0 : i32
    %dma_start3A_49 = tpu.memref_slice %arg2[%dma_start3A_47, %dma_start3A_48] : memref<1000000x64xf32, #tpu.memory_space<hbm>> -> memref<1000000x64xf32, #tpu.memory_space<hbm>>
    tpu.enqueue_indirect_dma source(%dma_start3A_49 : memref<1000000x64xf32, #tpu.memory_space<hbm>>) target(%dma_start3A_43 : memref<128x64xf32, #tpu.memory_space<vmem>>) offsets(%dma_start3A_46 : memref<128xi32, #tpu.memory_space<vmem>>) semaphore(%arg13 : memref<!tpu.dma_semaphore, #tpu.memory_space<semaphore_mem>>)
    %iota3A = tpu.iota {dimensions = array<i32: 0>} : vector<16xi32>
    %scan3A = arith.constant 0 : i32
    %scan3A_50 = arith.constant 50 : i32
    %scan3A_51 = arith.addi %scan3A, %scan3A_50 : i32
    %scan3A_52 = arith.constant 1 : i32
    scf.for %scan3A_117 = %scan3A to %scan3A_51 step %scan3A_52  : i32 {
      %mul3A_118 = arith.constant 1 : i32
      %mul3A_119 = arith.muli %scan3A_117, %mul3A_118 : i32
      %add3A_120 = arith.constant 0 : i32
      %add3A_121 = arith.addi %add3A_120, %mul3A_119 : i32
      %mul3A_122 = arith.constant 4 : i32
      %mul3A_123 = arith.muli %add3A_121, %mul3A_122 : i32
      %add3A_124 = arith.constant 0 : i32
      %add3A_125 = arith.addi %mul3A_123, %add3A_124 : i32
      %ge3A = arith.constant 4 : i32
      %ge3A_126 = arith.cmpi sge, %add3A_125, %ge3A : i32
      %convert_element_type3A = arith.extui %ge3A_126 : i1 to i32
      %cond3A = arith.constant 0 : i32
      %cond3A_127 = arith.cmpi ne, %convert_element_type3A, %cond3A : i32
      scf.if %cond3A_127 {
        %sub3A = arith.constant 4 : i32
        %sub3A_401 = arith.subi %add3A_125, %sub3A : i32
        %dma_wait3A_402 = arith.constant 0 : i32
        %dma_wait3A_403 = arith.constant 0 : i32
        %dma_wait3A_404 = arith.constant 0 : i32
        %dma_wait3A_405 = tpu.memref_slice %arg9[%dma_wait3A_402, %dma_wait3A_403, %dma_wait3A_404] : memref<4x64x128xf32, #tpu.memory_space<vmem>> -> memref<1x64x128xf32, #tpu.memory_space<vmem>>
        %dma_wait3A_406 = tpu.memref_squeeze %dma_wait3A_405 : memref<1x64x128xf32, #tpu.memory_space<vmem>> -> memref<64x128xf32, #tpu.memory_space<vmem>>
        %dma_wait3A_407 = arith.constant 0 : i32
        %dma_wait3A_408 = tpu.memref_slice %arg5[%sub3A_401, %dma_wait3A_407, %mul3A_2] : memref<200x64x4096xf32, #tpu.memory_space<hbm>> -> memref<1x64x128xf32, #tpu.memory_space<hbm>>
        %dma_wait3A_409 = tpu.memref_squeeze %dma_wait3A_408 : memref<1x64x128xf32, #tpu.memory_space<hbm>> -> memref<64x128xf32, #tpu.memory_space<hbm>>
        %dma_wait3A_410 = arith.constant 0 : i32
        %dma_wait3A_411 = tpu.memref_slice %arg5[%sub3A_401, %dma_wait3A_410, %mul3A_2] : memref<200x64x4096xf32, #tpu.memory_space<hbm>> -> memref<1x64x128xf32, #tpu.memory_space<hbm>>
        %dma_wait3A_412 = tpu.memref_squeeze %dma_wait3A_411 : memref<1x64x128xf32, #tpu.memory_space<hbm>> -> memref<64x128xf32, #tpu.memory_space<hbm>>
        %dma_wait3A_413 = arith.constant 0 : i32
        %dma_wait3A_414 = arith.constant 0 : i32
        %dma_wait3A_415 = tpu.memref_slice %arg9[%dma_wait3A_402, %dma_wait3A_413, %dma_wait3A_414] : memref<4x64x128xf32, #tpu.memory_space<vmem>> -> memref<1x64x128xf32, #tpu.memory_space<vmem>>
        %dma_wait3A_416 = tpu.memref_squeeze %dma_wait3A_415 : memref<1x64x128xf32, #tpu.memory_space<vmem>> -> memref<64x128xf32, #tpu.memory_space<vmem>>
        tpu.wait_dma2 semaphore(%arg14 : memref<!tpu.dma_semaphore, #tpu.memory_space<semaphore_mem>>) src(%dma_wait3A_416 : memref<64x128xf32, #tpu.memory_space<vmem>>) dst(%dma_wait3A_412 : memref<64x128xf32, #tpu.memory_space<hbm>>)
      } else {
      }
      %dma_wait3A_128 = arith.constant 0 : i32
      %dma_wait3A_129 = arith.constant 0 : i32
      %dma_wait3A_130 = arith.constant 0 : i32
      %dma_wait3A_131 = tpu.memref_slice %arg8[%dma_wait3A_128, %dma_wait3A_129, %dma_wait3A_130] : memref<4x128x64xf32, #tpu.memory_space<vmem>> -> memref<1x128x64xf32, #tpu.memory_space<vmem>>
      %dma_wait3A_132 = tpu.memref_squeeze %dma_wait3A_131 : memref<1x128x64xf32, #tpu.memory_space<vmem>> -> memref<128x64xf32, #tpu.memory_space<vmem>>
      %dma_wait3A_133 = arith.constant 0 : i32
      %dma_wait3A_134 = tpu.memref_slice %arg6[%add3A_125, %dma_wait3A_133] : memref<200x128xi32, #tpu.memory_space<vmem>> -> memref<1x128xi32, #tpu.memory_space<vmem>>
      %dma_wait3A_135 = tpu.memref_squeeze %dma_wait3A_134 : memref<1x128xi32, #tpu.memory_space<vmem>> -> memref<128xi32, #tpu.memory_space<vmem>>
      %dma_wait3A_136 = arith.constant 0 : i32
      %dma_wait3A_137 = arith.constant 0 : i32
      %dma_wait3A_138 = tpu.memref_slice %arg2[%dma_wait3A_136, %dma_wait3A_137] : memref<1000000x64xf32, #tpu.memory_space<hbm>> -> memref<1000000x64xf32, #tpu.memory_space<hbm>>
      tpu.wait_indirect_dma semaphore(%arg10 : memref<!tpu.dma_semaphore, #tpu.memory_space<semaphore_mem>>) src(%dma_wait3A_138 : memref<1000000x64xf32, #tpu.memory_space<hbm>>) dst(%dma_wait3A_132 : memref<128x64xf32, #tpu.memory_space<vmem>>)
      %get3A = arith.index_cast %add3A_125 : i32 to index
      %get3A_139 = arith.constant 0 : index
      %get3A_140 = tpu.vector_load %arg7[%get3A, %get3A_139] {strides = array<i32>} : memref<200x64xf32, #tpu.memory_space<vmem>>, vector<16xf32>,
      %get3A_141 = arith.index_cast %add3A_125 : i32 to index
      %get3A_142 = arith.constant 16 : index
      %get3A_143 = tpu.vector_load %arg7[%get3A_141, %get3A_142] {strides = array<i32>} : memref<200x64xf32, #tpu.memory_space<vmem>>, vector<16xf32>,
      %get3A_144 = arith.index_cast %add3A_125 : i32 to index
      %get3A_145 = arith.constant 32 : index
      %get3A_146 = tpu.vector_load %arg7[%get3A_144, %get3A_145] {strides = array<i32>} : memref<200x64xf32, #tpu.memory_space<vmem>>, vector<16xf32>,
      %get3A_147 = arith.index_cast %add3A_125 : i32 to index
      %get3A_148 = arith.constant 48 : index
      %get3A_149 = tpu.vector_load %arg7[%get3A_147, %get3A_148] {strides = array<i32>} : memref<200x64xf32, #tpu.memory_space<vmem>>, vector<16xf32>,
      %add3A_150 = arith.constant 0 : i32
      %add3A_151 = vector.broadcast %add3A_150 : i32 to vector<16xi32>
      %add3A_152 = arith.addi %iota3A, %add3A_151 : vector<16xi32>
      %add3A_153 = arith.constant 16 : i32
      %add3A_154 = vector.broadcast %add3A_153 : i32 to vector<16xi32>
      %add3A_155 = arith.addi %iota3A, %add3A_154 : vector<16xi32>
      %add3A_156 = arith.constant 32 : i32
      %add3A_157 = vector.broadcast %add3A_156 : i32 to vector<16xi32>
      %add3A_158 = arith.addi %iota3A, %add3A_157 : vector<16xi32>
      %add3A_159 = arith.constant 48 : i32
      %add3A_160 = vector.broadcast %add3A_159 : i32 to vector<16xi32>
      %add3A_161 = arith.addi %iota3A, %add3A_160 : vector<16xi32>
      %scan3A_162 = arith.constant 0 : i32
      %scan3A_163 = arith.constant 128 : i32
      %scan3A_164 = arith.addi %scan3A_162, %scan3A_163 : i32
      %scan3A_165 = arith.constant 1 : i32
      scf.for %scan3A_401 = %scan3A_162 to %scan3A_164 step %scan3A_165  : i32 {
        %mul3A_402 = arith.constant 1 : i32
        %mul3A_403 = arith.muli %scan3A_401, %mul3A_402 : i32
        %add3A_404 = arith.constant 0 : i32
        %add3A_405 = arith.addi %add3A_404, %mul3A_403 : i32
        %broadcast_in_dim3A = arith.constant 0 : i32
        %broadcast_in_dim3A_406 = vector.broadcast %broadcast_in_dim3A : i32 to vector<16xi32>
        %add3A_407 = vector.broadcast %add3A_405 : i32 to vector<16xi32>
        %add3A_408 = arith.addi %broadcast_in_dim3A_406, %add3A_407 : vector<16xi32>
        %get3A_409 = arith.constant 0 : i32
        %get3A_410 = arith.index_cast %get3A_409 : i32 to index
        %get3A_411 = arith.index_cast %add3A_405 : i32 to index
        %get3A_412 = arith.constant 0 : index
        %get3A_413 = tpu.vector_load %arg8[%get3A_410, %get3A_411, %get3A_412] {strides = array<i32>} : memref<4x128x64xf32, #tpu.memory_space<vmem>>, vector<16xf32>,
        %add3A_414 = arith.addf %get3A_413, %get3A_140 : vector<16xf32>
        %scatter3A = arith.constant 0 : i32
        %scatter3A_415 = arith.constant 0 : i32
        %scatter3A_416 = arith.constant 0 : i32
        %scatter3A_417 = tpu.memref_slice %arg9[%scatter3A, %scatter3A_415, %scatter3A_416] : memref<4x64x128xf32, #tpu.memory_space<vmem>> -> memref<1x64x128xf32, #tpu.memory_space<vmem>>
        %scatter3A_418 = tpu.memref_squeeze %scatter3A_417 : memref<1x64x128xf32, #tpu.memory_space<vmem>> -> memref<64x128xf32, #tpu.memory_space<vmem>>
        tpu.vector_store_idx %scatter3A_418[%add3A_152, %add3A_408], %add3A_414 : memref<64x128xf32, #tpu.memory_space<vmem>>[vector<16xi32>, vector<16xi32>], vector<16xf32>,
        %get3A_419 = arith.constant 0 : i32
        %get3A_420 = arith.index_cast %get3A_419 : i32 to index
        %get3A_421 = arith.index_cast %add3A_405 : i32 to index
        %get3A_422 = arith.constant 16 : index
        %get3A_423 = tpu.vector_load %arg8[%get3A_420, %get3A_421, %get3A_422] {strides = array<i32>} : memref<4x128x64xf32, #tpu.memory_space<vmem>>, vector<16xf32>,
        %add3A_424 = arith.addf %get3A_423, %get3A_143 : vector<16xf32>
        %scatter3A_425 = arith.constant 0 : i32
        %scatter3A_426 = arith.constant 0 : i32
        %scatter3A_427 = arith.constant 0 : i32
        %scatter3A_428 = tpu.memref_slice %arg9[%scatter3A_425, %scatter3A_426, %scatter3A_427] : memref<4x64x128xf32, #tpu.memory_space<vmem>> -> memref<1x64x128xf32, #tpu.memory_space<vmem>>
        %scatter3A_429 = tpu.memref_squeeze %scatter3A_428 : memref<1x64x128xf32, #tpu.memory_space<vmem>> -> memref<64x128xf32, #tpu.memory_space<vmem>>
        tpu.vector_store_idx %scatter3A_429[%add3A_155, %add3A_408], %add3A_424 : memref<64x128xf32, #tpu.memory_space<vmem>>[vector<16xi32>, vector<16xi32>], vector<16xf32>,
        %get3A_430 = arith.constant 0 : i32
        %get3A_431 = arith.index_cast %get3A_430 : i32 to index
        %get3A_432 = arith.index_cast %add3A_405 : i32 to index
        %get3A_433 = arith.constant 32 : index
        %get3A_434 = tpu.vector_load %arg8[%get3A_431, %get3A_432, %get3A_433] {strides = array<i32>} : memref<4x128x64xf32, #tpu.memory_space<vmem>>, vector<16xf32>,
        %add3A_435 = arith.addf %get3A_434, %get3A_146 : vector<16xf32>
        %scatter3A_436 = arith.constant 0 : i32
        %scatter3A_437 = arith.constant 0 : i32
        %scatter3A_438 = arith.constant 0 : i32
        %scatter3A_439 = tpu.memref_slice %arg9[%scatter3A_436, %scatter3A_437, %scatter3A_438] : memref<4x64x128xf32, #tpu.memory_space<vmem>> -> memref<1x64x128xf32, #tpu.memory_space<vmem>>
        %scatter3A_440 = tpu.memref_squeeze %scatter3A_439 : memref<1x64x128xf32, #tpu.memory_space<vmem>> -> memref<64x128xf32, #tpu.memory_space<vmem>>
        tpu.vector_store_idx %scatter3A_440[%add3A_158, %add3A_408], %add3A_435 : memref<64x128xf32, #tpu.memory_space<vmem>>[vector<16xi32>, vector<16xi32>], vector<16xf32>,
        %get3A_441 = arith.constant 0 : i32
        %get3A_442 = arith.index_cast %get3A_441 : i32 to index
        %get3A_443 = arith.index_cast %add3A_405 : i32 to index
        %get3A_444 = arith.constant 48 : index
        %get3A_445 = tpu.vector_load %arg8[%get3A_442, %get3A_443, %get3A_444] {strides = array<i32>} : memref<4x128x64xf32, #tpu.memory_space<vmem>>, vector<16xf32>,
        %add3A_446 = arith.addf %get3A_445, %get3A_149 : vector<16xf32>
        %scatter3A_447 = arith.constant 0 : i32
        %scatter3A_448 = arith.constant 0 : i32
        %scatter3A_449 = arith.constant 0 : i32
        %scatter3A_450 = tpu.memref_slice %arg9[%scatter3A_447, %scatter3A_448, %scatter3A_449] : memref<4x64x128xf32, #tpu.memory_space<vmem>> -> memref<1x64x128xf32, #tpu.memory_space<vmem>>
        %scatter3A_451 = tpu.memref_squeeze %scatter3A_450 : memref<1x64x128xf32, #tpu.memory_space<vmem>> -> memref<64x128xf32, #tpu.memory_space<vmem>>
        tpu.vector_store_idx %scatter3A_451[%add3A_161, %add3A_408], %add3A_446 : memref<64x128xf32, #tpu.memory_space<vmem>>[vector<16xi32>, vector<16xi32>], vector<16xf32>,
      }
      %scan3A_166 = arith.constant 128 : i32
      %dma_start3A_167 = arith.constant 0 : i32
      %dma_start3A_168 = arith.constant 0 : i32
      %dma_start3A_169 = arith.constant 0 : i32
      %dma_start3A_170 = tpu.memref_slice %arg9[%dma_start3A_167, %dma_start3A_168, %dma_start3A_169] : memref<4x64x128xf32, #tpu.memory_space<vmem>> -> memref<1x64x128xf32, #tpu.memory_space<vmem>>
      %dma_start3A_171 = tpu.memref_squeeze %dma_start3A_170 : memref<1x64x128xf32, #tpu.memory_space<vmem>> -> memref<64x128xf32, #tpu.memory_space<vmem>>
      %dma_start3A_172 = arith.constant 0 : i32
      %dma_start3A_173 = tpu.memref_slice %arg5[%add3A_125, %dma_start3A_172, %mul3A_2] : memref<200x64x4096xf32, #tpu.memory_space<hbm>> -> memref<1x64x128xf32, #tpu.memory_space<hbm>>
      %dma_start3A_174 = tpu.memref_squeeze %dma_start3A_173 : memref<1x64x128xf32, #tpu.memory_space<hbm>> -> memref<64x128xf32, #tpu.memory_space<hbm>>
      %dma_start3A_175 = arith.constant 0 : i32
      %dma_start3A_176 = tpu.memref_slice %arg5[%add3A_125, %dma_start3A_175, %mul3A_2] : memref<200x64x4096xf32, #tpu.memory_space<hbm>> -> memref<1x64x128xf32, #tpu.memory_space<hbm>>
      %dma_start3A_177 = tpu.memref_squeeze %dma_start3A_176 : memref<1x64x128xf32, #tpu.memory_space<hbm>> -> memref<64x128xf32, #tpu.memory_space<hbm>>
      %dma_start3A_178 = arith.constant 0 : i32
      %dma_start3A_179 = arith.constant 0 : i32
      %dma_start3A_180 = tpu.memref_slice %arg9[%dma_start3A_167, %dma_start3A_178, %dma_start3A_179] : memref<4x64x128xf32, #tpu.memory_space<vmem>> -> memref<1x64x128xf32, #tpu.memory_space<vmem>>
      %dma_start3A_181 = tpu.memref_squeeze %dma_start3A_180 : memref<1x64x128xf32, #tpu.memory_space<vmem>> -> memref<64x128xf32, #tpu.memory_space<vmem>>
      tpu.enqueue_dma source(%dma_start3A_181 : memref<64x128xf32, #tpu.memory_space<vmem>>) target(%dma_start3A_177 : memref<64x128xf32, #tpu.memory_space<hbm>>) target_semaphore(%arg14 : memref<!tpu.dma_semaphore, #tpu.memory_space<semaphore_mem>>)
      %add3A_182 = arith.constant 4 : i32
      %add3A_183 = arith.addi %add3A_125, %add3A_182 : i32
      %lt3A = arith.constant 200 : i32
      %lt3A_184 = arith.cmpi slt, %add3A_183, %lt3A : i32
      %convert_element_type3A_185 = arith.extui %lt3A_184 : i1 to i32
      %cond3A_186 = arith.constant 0 : i32
      %cond3A_187 = arith.cmpi ne, %convert_element_type3A_185, %cond3A_186 : i32
      scf.if %cond3A_187 {
        %add3A_401 = arith.constant 4 : i32
        %add3A_402 = arith.addi %add3A_125, %add3A_401 : i32
        %dma_start3A_403 = arith.constant 0 : i32
        %dma_start3A_404 = arith.constant 0 : i32
        %dma_start3A_405 = arith.constant 0 : i32
        %dma_start3A_406 = tpu.memref_slice %arg8[%dma_start3A_403, %dma_start3A_404, %dma_start3A_405] : memref<4x128x64xf32, #tpu.memory_space<vmem>> -> memref<1x128x64xf32, #tpu.memory_space<vmem>>
        %dma_start3A_407 = tpu.memref_squeeze %dma_start3A_406 : memref<1x128x64xf32, #tpu.memory_space<vmem>> -> memref<128x64xf32, #tpu.memory_space<vmem>>
        %dma_start3A_408 = arith.constant 0 : i32
        %dma_start3A_409 = tpu.memref_slice %arg6[%add3A_402, %dma_start3A_408] : memref<200x128xi32, #tpu.memory_space<vmem>> -> memref<1x128xi32, #tpu.memory_space<vmem>>
        %dma_start3A_410 = tpu.memref_squeeze %dma_start3A_409 : memref<1x128xi32, #tpu.memory_space<vmem>> -> memref<128xi32, #tpu.memory_space<vmem>>
        %dma_start3A_411 = arith.constant 0 : i32
        %dma_start3A_412 = arith.constant 0 : i32
        %dma_start3A_413 = tpu.memref_slice %arg2[%dma_start3A_411, %dma_start3A_412] : memref<1000000x64xf32, #tpu.memory_space<hbm>> -> memref<1000000x64xf32, #tpu.memory_space<hbm>>
        tpu.enqueue_indirect_dma source(%dma_start3A_413 : memref<1000000x64xf32, #tpu.memory_space<hbm>>) target(%dma_start3A_407 : memref<128x64xf32, #tpu.memory_space<vmem>>) offsets(%dma_start3A_410 : memref<128xi32, #tpu.memory_space<vmem>>) semaphore(%arg10 : memref<!tpu.dma_semaphore, #tpu.memory_space<semaphore_mem>>)
      } else {
      }
      %mul3A_188 = arith.constant 4 : i32
      %mul3A_189 = arith.muli %add3A_121, %mul3A_188 : i32
      %add3A_190 = arith.constant 1 : i32
      %add3A_191 = arith.addi %mul3A_189, %add3A_190 : i32
      %ge3A_192 = arith.constant 4 : i32
      %ge3A_193 = arith.cmpi sge, %add3A_191, %ge3A_192 : i32
      %convert_element_type3A_194 = arith.extui %ge3A_193 : i1 to i32
      %cond3A_195 = arith.constant 0 : i32
      %cond3A_196 = arith.cmpi ne, %convert_element_type3A_194, %cond3A_195 : i32
      scf.if %cond3A_196 {
        %sub3A = arith.constant 4 : i32
        %sub3A_401 = arith.subi %add3A_191, %sub3A : i32
        %dma_wait3A_402 = arith.constant 1 : i32
        %dma_wait3A_403 = arith.constant 0 : i32
        %dma_wait3A_404 = arith.constant 0 : i32
        %dma_wait3A_405 = tpu.memref_slice %arg9[%dma_wait3A_402, %dma_wait3A_403, %dma_wait3A_404] : memref<4x64x128xf32, #tpu.memory_space<vmem>> -> memref<1x64x128xf32, #tpu.memory_space<vmem>>
        %dma_wait3A_406 = tpu.memref_squeeze %dma_wait3A_405 : memref<1x64x128xf32, #tpu.memory_space<vmem>> -> memref<64x128xf32, #tpu.memory_space<vmem>>
        %dma_wait3A_407 = arith.constant 0 : i32
        %dma_wait3A_408 = tpu.memref_slice %arg5[%sub3A_401, %dma_wait3A_407, %mul3A_2] : memref<200x64x4096xf32, #tpu.memory_space<hbm>> -> memref<1x64x128xf32, #tpu.memory_space<hbm>>
        %dma_wait3A_409 = tpu.memref_squeeze %dma_wait3A_408 : memref<1x64x128xf32, #tpu.memory_space<hbm>> -> memref<64x128xf32, #tpu.memory_space<hbm>>
        %dma_wait3A_410 = arith.constant 0 : i32
        %dma_wait3A_411 = tpu.memref_slice %arg5[%sub3A_401, %dma_wait3A_410, %mul3A_2] : memref<200x64x4096xf32, #tpu.memory_space<hbm>> -> memref<1x64x128xf32, #tpu.memory_space<hbm>>
        %dma_wait3A_412 = tpu.memref_squeeze %dma_wait3A_411 : memref<1x64x128xf32, #tpu.memory_space<hbm>> -> memref<64x128xf32, #tpu.memory_space<hbm>>
        %dma_wait3A_413 = arith.constant 0 : i32
        %dma_wait3A_414 = arith.constant 0 : i32
        %dma_wait3A_415 = tpu.memref_slice %arg9[%dma_wait3A_402, %dma_wait3A_413, %dma_wait3A_414] : memref<4x64x128xf32, #tpu.memory_space<vmem>> -> memref<1x64x128xf32, #tpu.memory_space<vmem>>
        %dma_wait3A_416 = tpu.memref_squeeze %dma_wait3A_415 : memref<1x64x128xf32, #tpu.memory_space<vmem>> -> memref<64x128xf32, #tpu.memory_space<vmem>>
        tpu.wait_dma2 semaphore(%arg15 : memref<!tpu.dma_semaphore, #tpu.memory_space<semaphore_mem>>) src(%dma_wait3A_416 : memref<64x128xf32, #tpu.memory_space<vmem>>) dst(%dma_wait3A_412 : memref<64x128xf32, #tpu.memory_space<hbm>>)
      } else {
      }
      %dma_wait3A_197 = arith.constant 1 : i32
      %dma_wait3A_198 = arith.constant 0 : i32
      %dma_wait3A_199 = arith.constant 0 : i32
      %dma_wait3A_200 = tpu.memref_slice %arg8[%dma_wait3A_197, %dma_wait3A_198, %dma_wait3A_199] : memref<4x128x64xf32, #tpu.memory_space<vmem>> -> memref<1x128x64xf32, #tpu.memory_space<vmem>>
      %dma_wait3A_201 = tpu.memref_squeeze %dma_wait3A_200 : memref<1x128x64xf32, #tpu.memory_space<vmem>> -> memref<128x64xf32, #tpu.memory_space<vmem>>
      %dma_wait3A_202 = arith.constant 0 : i32
      %dma_wait3A_203 = tpu.memref_slice %arg6[%add3A_191, %dma_wait3A_202] : memref<200x128xi32, #tpu.memory_space<vmem>> -> memref<1x128xi32, #tpu.memory_space<vmem>>
      %dma_wait3A_204 = tpu.memref_squeeze %dma_wait3A_203 : memref<1x128xi32, #tpu.memory_space<vmem>> -> memref<128xi32, #tpu.memory_space<vmem>>
      %dma_wait3A_205 = arith.constant 0 : i32
      %dma_wait3A_206 = arith.constant 0 : i32
      %dma_wait3A_207 = tpu.memref_slice %arg2[%dma_wait3A_205, %dma_wait3A_206] : memref<1000000x64xf32, #tpu.memory_space<hbm>> -> memref<1000000x64xf32, #tpu.memory_space<hbm>>
      tpu.wait_indirect_dma semaphore(%arg11 : memref<!tpu.dma_semaphore, #tpu.memory_space<semaphore_mem>>) src(%dma_wait3A_207 : memref<1000000x64xf32, #tpu.memory_space<hbm>>) dst(%dma_wait3A_201 : memref<128x64xf32, #tpu.memory_space<vmem>>)
      %get3A_208 = arith.index_cast %add3A_191 : i32 to index
      %get3A_209 = arith.constant 0 : index
      %get3A_210 = tpu.vector_load %arg7[%get3A_208, %get3A_209] {strides = array<i32>} : memref<200x64xf32, #tpu.memory_space<vmem>>, vector<16xf32>,
      %get3A_211 = arith.index_cast %add3A_191 : i32 to index
      %get3A_212 = arith.constant 16 : index
      %get3A_213 = tpu.vector_load %arg7[%get3A_211, %get3A_212] {strides = array<i32>} : memref<200x64xf32, #tpu.memory_space<vmem>>, vector<16xf32>,
      %get3A_214 = arith.index_cast %add3A_191 : i32 to index
      %get3A_215 = arith.constant 32 : index
      %get3A_216 = tpu.vector_load %arg7[%get3A_214, %get3A_215] {strides = array<i32>} : memref<200x64xf32, #tpu.memory_space<vmem>>, vector<16xf32>,
      %get3A_217 = arith.index_cast %add3A_191 : i32 to index
      %get3A_218 = arith.constant 48 : index
      %get3A_219 = tpu.vector_load %arg7[%get3A_217, %get3A_218] {strides = array<i32>} : memref<200x64xf32, #tpu.memory_space<vmem>>, vector<16xf32>,
      %add3A_220 = arith.constant 0 : i32
      %add3A_221 = vector.broadcast %add3A_220 : i32 to vector<16xi32>
      %add3A_222 = arith.addi %iota3A, %add3A_221 : vector<16xi32>
      %add3A_223 = arith.constant 16 : i32
      %add3A_224 = vector.broadcast %add3A_223 : i32 to vector<16xi32>
      %add3A_225 = arith.addi %iota3A, %add3A_224 : vector<16xi32>
      %add3A_226 = arith.constant 32 : i32
      %add3A_227 = vector.broadcast %add3A_226 : i32 to vector<16xi32>
      %add3A_228 = arith.addi %iota3A, %add3A_227 : vector<16xi32>
      %add3A_229 = arith.constant 48 : i32
      %add3A_230 = vector.broadcast %add3A_229 : i32 to vector<16xi32>
      %add3A_231 = arith.addi %iota3A, %add3A_230 : vector<16xi32>
      %scan3A_232 = arith.constant 0 : i32
      %scan3A_233 = arith.constant 128 : i32
      %scan3A_234 = arith.addi %scan3A_232, %scan3A_233 : i32
      %scan3A_235 = arith.constant 1 : i32
      scf.for %scan3A_401 = %scan3A_232 to %scan3A_234 step %scan3A_235  : i32 {
        %mul3A_402 = arith.constant 1 : i32
        %mul3A_403 = arith.muli %scan3A_401, %mul3A_402 : i32
        %add3A_404 = arith.constant 0 : i32
        %add3A_405 = arith.addi %add3A_404, %mul3A_403 : i32
        %broadcast_in_dim3A = arith.constant 0 : i32
        %broadcast_in_dim3A_406 = vector.broadcast %broadcast_in_dim3A : i32 to vector<16xi32>
        %add3A_407 = vector.broadcast %add3A_405 : i32 to vector<16xi32>
        %add3A_408 = arith.addi %broadcast_in_dim3A_406, %add3A_407 : vector<16xi32>
        %get3A_409 = arith.constant 1 : i32
        %get3A_410 = arith.index_cast %get3A_409 : i32 to index
        %get3A_411 = arith.index_cast %add3A_405 : i32 to index
        %get3A_412 = arith.constant 0 : index
        %get3A_413 = tpu.vector_load %arg8[%get3A_410, %get3A_411, %get3A_412] {strides = array<i32>} : memref<4x128x64xf32, #tpu.memory_space<vmem>>, vector<16xf32>,
        %add3A_414 = arith.addf %get3A_413, %get3A_210 : vector<16xf32>
        %scatter3A = arith.constant 1 : i32
        %scatter3A_415 = arith.constant 0 : i32
        %scatter3A_416 = arith.constant 0 : i32
        %scatter3A_417 = tpu.memref_slice %arg9[%scatter3A, %scatter3A_415, %scatter3A_416] : memref<4x64x128xf32, #tpu.memory_space<vmem>> -> memref<1x64x128xf32, #tpu.memory_space<vmem>>
        %scatter3A_418 = tpu.memref_squeeze %scatter3A_417 : memref<1x64x128xf32, #tpu.memory_space<vmem>> -> memref<64x128xf32, #tpu.memory_space<vmem>>
        tpu.vector_store_idx %scatter3A_418[%add3A_222, %add3A_408], %add3A_414 : memref<64x128xf32, #tpu.memory_space<vmem>>[vector<16xi32>, vector<16xi32>], vector<16xf32>,
        %get3A_419 = arith.constant 1 : i32
        %get3A_420 = arith.index_cast %get3A_419 : i32 to index
        %get3A_421 = arith.index_cast %add3A_405 : i32 to index
        %get3A_422 = arith.constant 16 : index
        %get3A_423 = tpu.vector_load %arg8[%get3A_420, %get3A_421, %get3A_422] {strides = array<i32>} : memref<4x128x64xf32, #tpu.memory_space<vmem>>, vector<16xf32>,
        %add3A_424 = arith.addf %get3A_423, %get3A_213 : vector<16xf32>
        %scatter3A_425 = arith.constant 1 : i32
        %scatter3A_426 = arith.constant 0 : i32
        %scatter3A_427 = arith.constant 0 : i32
        %scatter3A_428 = tpu.memref_slice %arg9[%scatter3A_425, %scatter3A_426, %scatter3A_427] : memref<4x64x128xf32, #tpu.memory_space<vmem>> -> memref<1x64x128xf32, #tpu.memory_space<vmem>>
        %scatter3A_429 = tpu.memref_squeeze %scatter3A_428 : memref<1x64x128xf32, #tpu.memory_space<vmem>> -> memref<64x128xf32, #tpu.memory_space<vmem>>
        tpu.vector_store_idx %scatter3A_429[%add3A_225, %add3A_408], %add3A_424 : memref<64x128xf32, #tpu.memory_space<vmem>>[vector<16xi32>, vector<16xi32>], vector<16xf32>,
        %get3A_430 = arith.constant 1 : i32
        %get3A_431 = arith.index_cast %get3A_430 : i32 to index
        %get3A_432 = arith.index_cast %add3A_405 : i32 to index
        %get3A_433 = arith.constant 32 : index
        %get3A_434 = tpu.vector_load %arg8[%get3A_431, %get3A_432, %get3A_433] {strides = array<i32>} : memref<4x128x64xf32, #tpu.memory_space<vmem>>, vector<16xf32>,
        %add3A_435 = arith.addf %get3A_434, %get3A_216 : vector<16xf32>
        %scatter3A_436 = arith.constant 1 : i32
        %scatter3A_437 = arith.constant 0 : i32
        %scatter3A_438 = arith.constant 0 : i32
        %scatter3A_439 = tpu.memref_slice %arg9[%scatter3A_436, %scatter3A_437, %scatter3A_438] : memref<4x64x128xf32, #tpu.memory_space<vmem>> -> memref<1x64x128xf32, #tpu.memory_space<vmem>>
        %scatter3A_440 = tpu.memref_squeeze %scatter3A_439 : memref<1x64x128xf32, #tpu.memory_space<vmem>> -> memref<64x128xf32, #tpu.memory_space<vmem>>
        tpu.vector_store_idx %scatter3A_440[%add3A_228, %add3A_408], %add3A_435 : memref<64x128xf32, #tpu.memory_space<vmem>>[vector<16xi32>, vector<16xi32>], vector<16xf32>,
        %get3A_441 = arith.constant 1 : i32
        %get3A_442 = arith.index_cast %get3A_441 : i32 to index
        %get3A_443 = arith.index_cast %add3A_405 : i32 to index
        %get3A_444 = arith.constant 48 : index
        %get3A_445 = tpu.vector_load %arg8[%get3A_442, %get3A_443, %get3A_444] {strides = array<i32>} : memref<4x128x64xf32, #tpu.memory_space<vmem>>, vector<16xf32>,
        %add3A_446 = arith.addf %get3A_445, %get3A_219 : vector<16xf32>
        %scatter3A_447 = arith.constant 1 : i32
        %scatter3A_448 = arith.constant 0 : i32
        %scatter3A_449 = arith.constant 0 : i32
        %scatter3A_450 = tpu.memref_slice %arg9[%scatter3A_447, %scatter3A_448, %scatter3A_449] : memref<4x64x128xf32, #tpu.memory_space<vmem>> -> memref<1x64x128xf32, #tpu.memory_space<vmem>>
        %scatter3A_451 = tpu.memref_squeeze %scatter3A_450 : memref<1x64x128xf32, #tpu.memory_space<vmem>> -> memref<64x128xf32, #tpu.memory_space<vmem>>
        tpu.vector_store_idx %scatter3A_451[%add3A_231, %add3A_408], %add3A_446 : memref<64x128xf32, #tpu.memory_space<vmem>>[vector<16xi32>, vector<16xi32>], vector<16xf32>,
      }
      %scan3A_236 = arith.constant 128 : i32
      %dma_start3A_237 = arith.constant 1 : i32
      %dma_start3A_238 = arith.constant 0 : i32
      %dma_start3A_239 = arith.constant 0 : i32
      %dma_start3A_240 = tpu.memref_slice %arg9[%dma_start3A_237, %dma_start3A_238, %dma_start3A_239] : memref<4x64x128xf32, #tpu.memory_space<vmem>> -> memref<1x64x128xf32, #tpu.memory_space<vmem>>
      %dma_start3A_241 = tpu.memref_squeeze %dma_start3A_240 : memref<1x64x128xf32, #tpu.memory_space<vmem>> -> memref<64x128xf32, #tpu.memory_space<vmem>>
      %dma_start3A_242 = arith.constant 0 : i32
      %dma_start3A_243 = tpu.memref_slice %arg5[%add3A_191, %dma_start3A_242, %mul3A_2] : memref<200x64x4096xf32, #tpu.memory_space<hbm>> -> memref<1x64x128xf32, #tpu.memory_space<hbm>>
      %dma_start3A_244 = tpu.memref_squeeze %dma_start3A_243 : memref<1x64x128xf32, #tpu.memory_space<hbm>> -> memref<64x128xf32, #tpu.memory_space<hbm>>
      %dma_start3A_245 = arith.constant 0 : i32
      %dma_start3A_246 = tpu.memref_slice %arg5[%add3A_191, %dma_start3A_245, %mul3A_2] : memref<200x64x4096xf32, #tpu.memory_space<hbm>> -> memref<1x64x128xf32, #tpu.memory_space<hbm>>
      %dma_start3A_247 = tpu.memref_squeeze %dma_start3A_246 : memref<1x64x128xf32, #tpu.memory_space<hbm>> -> memref<64x128xf32, #tpu.memory_space<hbm>>
      %dma_start3A_248 = arith.constant 0 : i32
      %dma_start3A_249 = arith.constant 0 : i32
      %dma_start3A_250 = tpu.memref_slice %arg9[%dma_start3A_237, %dma_start3A_248, %dma_start3A_249] : memref<4x64x128xf32, #tpu.memory_space<vmem>> -> memref<1x64x128xf32, #tpu.memory_space<vmem>>
      %dma_start3A_251 = tpu.memref_squeeze %dma_start3A_250 : memref<1x64x128xf32, #tpu.memory_space<vmem>> -> memref<64x128xf32, #tpu.memory_space<vmem>>
      tpu.enqueue_dma source(%dma_start3A_251 : memref<64x128xf32, #tpu.memory_space<vmem>>) target(%dma_start3A_247 : memref<64x128xf32, #tpu.memory_space<hbm>>) target_semaphore(%arg15 : memref<!tpu.dma_semaphore, #tpu.memory_space<semaphore_mem>>)
      %add3A_252 = arith.constant 4 : i32
      %add3A_253 = arith.addi %add3A_191, %add3A_252 : i32
      %lt3A_254 = arith.constant 200 : i32
      %lt3A_255 = arith.cmpi slt, %add3A_253, %lt3A_254 : i32
      %convert_element_type3A_256 = arith.extui %lt3A_255 : i1 to i32
      %cond3A_257 = arith.constant 0 : i32
      %cond3A_258 = arith.cmpi ne, %convert_element_type3A_256, %cond3A_257 : i32
      scf.if %cond3A_258 {
        %add3A_401 = arith.constant 4 : i32
        %add3A_402 = arith.addi %add3A_191, %add3A_401 : i32
        %dma_start3A_403 = arith.constant 1 : i32
        %dma_start3A_404 = arith.constant 0 : i32
        %dma_start3A_405 = arith.constant 0 : i32
        %dma_start3A_406 = tpu.memref_slice %arg8[%dma_start3A_403, %dma_start3A_404, %dma_start3A_405] : memref<4x128x64xf32, #tpu.memory_space<vmem>> -> memref<1x128x64xf32, #tpu.memory_space<vmem>>
        %dma_start3A_407 = tpu.memref_squeeze %dma_start3A_406 : memref<1x128x64xf32, #tpu.memory_space<vmem>> -> memref<128x64xf32, #tpu.memory_space<vmem>>
        %dma_start3A_408 = arith.constant 0 : i32
        %dma_start3A_409 = tpu.memref_slice %arg6[%add3A_402, %dma_start3A_408] : memref<200x128xi32, #tpu.memory_space<vmem>> -> memref<1x128xi32, #tpu.memory_space<vmem>>
        %dma_start3A_410 = tpu.memref_squeeze %dma_start3A_409 : memref<1x128xi32, #tpu.memory_space<vmem>> -> memref<128xi32, #tpu.memory_space<vmem>>
        %dma_start3A_411 = arith.constant 0 : i32
        %dma_start3A_412 = arith.constant 0 : i32
        %dma_start3A_413 = tpu.memref_slice %arg2[%dma_start3A_411, %dma_start3A_412] : memref<1000000x64xf32, #tpu.memory_space<hbm>> -> memref<1000000x64xf32, #tpu.memory_space<hbm>>
        tpu.enqueue_indirect_dma source(%dma_start3A_413 : memref<1000000x64xf32, #tpu.memory_space<hbm>>) target(%dma_start3A_407 : memref<128x64xf32, #tpu.memory_space<vmem>>) offsets(%dma_start3A_410 : memref<128xi32, #tpu.memory_space<vmem>>) semaphore(%arg11 : memref<!tpu.dma_semaphore, #tpu.memory_space<semaphore_mem>>)
      } else {
      }
      %mul3A_259 = arith.constant 4 : i32
      %mul3A_260 = arith.muli %add3A_121, %mul3A_259 : i32
      %add3A_261 = arith.constant 2 : i32
      %add3A_262 = arith.addi %mul3A_260, %add3A_261 : i32
      %ge3A_263 = arith.constant 4 : i32
      %ge3A_264 = arith.cmpi sge, %add3A_262, %ge3A_263 : i32
      %convert_element_type3A_265 = arith.extui %ge3A_264 : i1 to i32
      %cond3A_266 = arith.constant 0 : i32
      %cond3A_267 = arith.cmpi ne, %convert_element_type3A_265, %cond3A_266 : i32
      scf.if %cond3A_267 {
        %sub3A = arith.constant 4 : i32
        %sub3A_401 = arith.subi %add3A_262, %sub3A : i32
        %dma_wait3A_402 = arith.constant 2 : i32
        %dma_wait3A_403 = arith.constant 0 : i32
        %dma_wait3A_404 = arith.constant 0 : i32
        %dma_wait3A_405 = tpu.memref_slice %arg9[%dma_wait3A_402, %dma_wait3A_403, %dma_wait3A_404] : memref<4x64x128xf32, #tpu.memory_space<vmem>> -> memref<1x64x128xf32, #tpu.memory_space<vmem>>
        %dma_wait3A_406 = tpu.memref_squeeze %dma_wait3A_405 : memref<1x64x128xf32, #tpu.memory_space<vmem>> -> memref<64x128xf32, #tpu.memory_space<vmem>>
        %dma_wait3A_407 = arith.constant 0 : i32
        %dma_wait3A_408 = tpu.memref_slice %arg5[%sub3A_401, %dma_wait3A_407, %mul3A_2] : memref<200x64x4096xf32, #tpu.memory_space<hbm>> -> memref<1x64x128xf32, #tpu.memory_space<hbm>>
        %dma_wait3A_409 = tpu.memref_squeeze %dma_wait3A_408 : memref<1x64x128xf32, #tpu.memory_space<hbm>> -> memref<64x128xf32, #tpu.memory_space<hbm>>
        %dma_wait3A_410 = arith.constant 0 : i32
        %dma_wait3A_411 = tpu.memref_slice %arg5[%sub3A_401, %dma_wait3A_410, %mul3A_2] : memref<200x64x4096xf32, #tpu.memory_space<hbm>> -> memref<1x64x128xf32, #tpu.memory_space<hbm>>
        %dma_wait3A_412 = tpu.memref_squeeze %dma_wait3A_411 : memref<1x64x128xf32, #tpu.memory_space<hbm>> -> memref<64x128xf32, #tpu.memory_space<hbm>>
        %dma_wait3A_413 = arith.constant 0 : i32
        %dma_wait3A_414 = arith.constant 0 : i32
        %dma_wait3A_415 = tpu.memref_slice %arg9[%dma_wait3A_402, %dma_wait3A_413, %dma_wait3A_414] : memref<4x64x128xf32, #tpu.memory_space<vmem>> -> memref<1x64x128xf32, #tpu.memory_space<vmem>>
        %dma_wait3A_416 = tpu.memref_squeeze %dma_wait3A_415 : memref<1x64x128xf32, #tpu.memory_space<vmem>> -> memref<64x128xf32, #tpu.memory_space<vmem>>
        tpu.wait_dma2 semaphore(%arg16 : memref<!tpu.dma_semaphore, #tpu.memory_space<semaphore_mem>>) src(%dma_wait3A_416 : memref<64x128xf32, #tpu.memory_space<vmem>>) dst(%dma_wait3A_412 : memref<64x128xf32, #tpu.memory_space<hbm>>)
      } else {
      }
      %dma_wait3A_268 = arith.constant 2 : i32
      %dma_wait3A_269 = arith.constant 0 : i32
      %dma_wait3A_270 = arith.constant 0 : i32
      %dma_wait3A_271 = tpu.memref_slice %arg8[%dma_wait3A_268, %dma_wait3A_269, %dma_wait3A_270] : memref<4x128x64xf32, #tpu.memory_space<vmem>> -> memref<1x128x64xf32, #tpu.memory_space<vmem>>
      %dma_wait3A_272 = tpu.memref_squeeze %dma_wait3A_271 : memref<1x128x64xf32, #tpu.memory_space<vmem>> -> memref<128x64xf32, #tpu.memory_space<vmem>>
      %dma_wait3A_273 = arith.constant 0 : i32
      %dma_wait3A_274 = tpu.memref_slice %arg6[%add3A_262, %dma_wait3A_273] : memref<200x128xi32, #tpu.memory_space<vmem>> -> memref<1x128xi32, #tpu.memory_space<vmem>>
      %dma_wait3A_275 = tpu.memref_squeeze %dma_wait3A_274 : memref<1x128xi32, #tpu.memory_space<vmem>> -> memref<128xi32, #tpu.memory_space<vmem>>
      %dma_wait3A_276 = arith.constant 0 : i32
      %dma_wait3A_277 = arith.constant 0 : i32
      %dma_wait3A_278 = tpu.memref_slice %arg2[%dma_wait3A_276, %dma_wait3A_277] : memref<1000000x64xf32, #tpu.memory_space<hbm>> -> memref<1000000x64xf32, #tpu.memory_space<hbm>>
      tpu.wait_indirect_dma semaphore(%arg12 : memref<!tpu.dma_semaphore, #tpu.memory_space<semaphore_mem>>) src(%dma_wait3A_278 : memref<1000000x64xf32, #tpu.memory_space<hbm>>) dst(%dma_wait3A_272 : memref<128x64xf32, #tpu.memory_space<vmem>>)
      %get3A_279 = arith.index_cast %add3A_262 : i32 to index
      %get3A_280 = arith.constant 0 : index
      %get3A_281 = tpu.vector_load %arg7[%get3A_279, %get3A_280] {strides = array<i32>} : memref<200x64xf32, #tpu.memory_space<vmem>>, vector<16xf32>,
      %get3A_282 = arith.index_cast %add3A_262 : i32 to index
      %get3A_283 = arith.constant 16 : index
      %get3A_284 = tpu.vector_load %arg7[%get3A_282, %get3A_283] {strides = array<i32>} : memref<200x64xf32, #tpu.memory_space<vmem>>, vector<16xf32>,
      %get3A_285 = arith.index_cast %add3A_262 : i32 to index
      %get3A_286 = arith.constant 32 : index
      %get3A_287 = tpu.vector_load %arg7[%get3A_285, %get3A_286] {strides = array<i32>} : memref<200x64xf32, #tpu.memory_space<vmem>>, vector<16xf32>,
      %get3A_288 = arith.index_cast %add3A_262 : i32 to index
      %get3A_289 = arith.constant 48 : index
      %get3A_290 = tpu.vector_load %arg7[%get3A_288, %get3A_289] {strides = array<i32>} : memref<200x64xf32, #tpu.memory_space<vmem>>, vector<16xf32>,
      %add3A_291 = arith.constant 0 : i32
      %add3A_292 = vector.broadcast %add3A_291 : i32 to vector<16xi32>
      %add3A_293 = arith.addi %iota3A, %add3A_292 : vector<16xi32>
      %add3A_294 = arith.constant 16 : i32
      %add3A_295 = vector.broadcast %add3A_294 : i32 to vector<16xi32>
      %add3A_296 = arith.addi %iota3A, %add3A_295 : vector<16xi32>
      %add3A_297 = arith.constant 32 : i32
      %add3A_298 = vector.broadcast %add3A_297 : i32 to vector<16xi32>
      %add3A_299 = arith.addi %iota3A, %add3A_298 : vector<16xi32>
      %add3A_300 = arith.constant 48 : i32
      %add3A_301 = vector.broadcast %add3A_300 : i32 to vector<16xi32>
      %add3A_302 = arith.addi %iota3A, %add3A_301 : vector<16xi32>
      %scan3A_303 = arith.constant 0 : i32
      %scan3A_304 = arith.constant 128 : i32
      %scan3A_305 = arith.addi %scan3A_303, %scan3A_304 : i32
      %scan3A_306 = arith.constant 1 : i32
      scf.for %scan3A_401 = %scan3A_303 to %scan3A_305 step %scan3A_306  : i32 {
        %mul3A_402 = arith.constant 1 : i32
        %mul3A_403 = arith.muli %scan3A_401, %mul3A_402 : i32
        %add3A_404 = arith.constant 0 : i32
        %add3A_405 = arith.addi %add3A_404, %mul3A_403 : i32
        %broadcast_in_dim3A = arith.constant 0 : i32
        %broadcast_in_dim3A_406 = vector.broadcast %broadcast_in_dim3A : i32 to vector<16xi32>
        %add3A_407 = vector.broadcast %add3A_405 : i32 to vector<16xi32>
        %add3A_408 = arith.addi %broadcast_in_dim3A_406, %add3A_407 : vector<16xi32>
        %get3A_409 = arith.constant 2 : i32
        %get3A_410 = arith.index_cast %get3A_409 : i32 to index
        %get3A_411 = arith.index_cast %add3A_405 : i32 to index
        %get3A_412 = arith.constant 0 : index
        %get3A_413 = tpu.vector_load %arg8[%get3A_410, %get3A_411, %get3A_412] {strides = array<i32>} : memref<4x128x64xf32, #tpu.memory_space<vmem>>, vector<16xf32>,
        %add3A_414 = arith.addf %get3A_413, %get3A_281 : vector<16xf32>
        %scatter3A = arith.constant 2 : i32
        %scatter3A_415 = arith.constant 0 : i32
        %scatter3A_416 = arith.constant 0 : i32
        %scatter3A_417 = tpu.memref_slice %arg9[%scatter3A, %scatter3A_415, %scatter3A_416] : memref<4x64x128xf32, #tpu.memory_space<vmem>> -> memref<1x64x128xf32, #tpu.memory_space<vmem>>
        %scatter3A_418 = tpu.memref_squeeze %scatter3A_417 : memref<1x64x128xf32, #tpu.memory_space<vmem>> -> memref<64x128xf32, #tpu.memory_space<vmem>>
        tpu.vector_store_idx %scatter3A_418[%add3A_293, %add3A_408], %add3A_414 : memref<64x128xf32, #tpu.memory_space<vmem>>[vector<16xi32>, vector<16xi32>], vector<16xf32>,
        %get3A_419 = arith.constant 2 : i32
        %get3A_420 = arith.index_cast %get3A_419 : i32 to index
        %get3A_421 = arith.index_cast %add3A_405 : i32 to index
        %get3A_422 = arith.constant 16 : index
        %get3A_423 = tpu.vector_load %arg8[%get3A_420, %get3A_421, %get3A_422] {strides = array<i32>} : memref<4x128x64xf32, #tpu.memory_space<vmem>>, vector<16xf32>,
        %add3A_424 = arith.addf %get3A_423, %get3A_284 : vector<16xf32>
        %scatter3A_425 = arith.constant 2 : i32
        %scatter3A_426 = arith.constant 0 : i32
        %scatter3A_427 = arith.constant 0 : i32
        %scatter3A_428 = tpu.memref_slice %arg9[%scatter3A_425, %scatter3A_426, %scatter3A_427] : memref<4x64x128xf32, #tpu.memory_space<vmem>> -> memref<1x64x128xf32, #tpu.memory_space<vmem>>
        %scatter3A_429 = tpu.memref_squeeze %scatter3A_428 : memref<1x64x128xf32, #tpu.memory_space<vmem>> -> memref<64x128xf32, #tpu.memory_space<vmem>>
        tpu.vector_store_idx %scatter3A_429[%add3A_296, %add3A_408], %add3A_424 : memref<64x128xf32, #tpu.memory_space<vmem>>[vector<16xi32>, vector<16xi32>], vector<16xf32>,
        %get3A_430 = arith.constant 2 : i32
        %get3A_431 = arith.index_cast %get3A_430 : i32 to index
        %get3A_432 = arith.index_cast %add3A_405 : i32 to index
        %get3A_433 = arith.constant 32 : index
        %get3A_434 = tpu.vector_load %arg8[%get3A_431, %get3A_432, %get3A_433] {strides = array<i32>} : memref<4x128x64xf32, #tpu.memory_space<vmem>>, vector<16xf32>,
        %add3A_435 = arith.addf %get3A_434, %get3A_287 : vector<16xf32>
        %scatter3A_436 = arith.constant 2 : i32
        %scatter3A_437 = arith.constant 0 : i32
        %scatter3A_438 = arith.constant 0 : i32
        %scatter3A_439 = tpu.memref_slice %arg9[%scatter3A_436, %scatter3A_437, %scatter3A_438] : memref<4x64x128xf32, #tpu.memory_space<vmem>> -> memref<1x64x128xf32, #tpu.memory_space<vmem>>
        %scatter3A_440 = tpu.memref_squeeze %scatter3A_439 : memref<1x64x128xf32, #tpu.memory_space<vmem>> -> memref<64x128xf32, #tpu.memory_space<vmem>>
        tpu.vector_store_idx %scatter3A_440[%add3A_299, %add3A_408], %add3A_435 : memref<64x128xf32, #tpu.memory_space<vmem>>[vector<16xi32>, vector<16xi32>], vector<16xf32>,
        %get3A_441 = arith.constant 2 : i32
        %get3A_442 = arith.index_cast %get3A_441 : i32 to index
        %get3A_443 = arith.index_cast %add3A_405 : i32 to index
        %get3A_444 = arith.constant 48 : index
        %get3A_445 = tpu.vector_load %arg8[%get3A_442, %get3A_443, %get3A_444] {strides = array<i32>} : memref<4x128x64xf32, #tpu.memory_space<vmem>>, vector<16xf32>,
        %add3A_446 = arith.addf %get3A_445, %get3A_290 : vector<16xf32>
        %scatter3A_447 = arith.constant 2 : i32
        %scatter3A_448 = arith.constant 0 : i32
        %scatter3A_449 = arith.constant 0 : i32
        %scatter3A_450 = tpu.memref_slice %arg9[%scatter3A_447, %scatter3A_448, %scatter3A_449] : memref<4x64x128xf32, #tpu.memory_space<vmem>> -> memref<1x64x128xf32, #tpu.memory_space<vmem>>
        %scatter3A_451 = tpu.memref_squeeze %scatter3A_450 : memref<1x64x128xf32, #tpu.memory_space<vmem>> -> memref<64x128xf32, #tpu.memory_space<vmem>>
        tpu.vector_store_idx %scatter3A_451[%add3A_302, %add3A_408], %add3A_446 : memref<64x128xf32, #tpu.memory_space<vmem>>[vector<16xi32>, vector<16xi32>], vector<16xf32>,
      }
      %scan3A_307 = arith.constant 128 : i32
      %dma_start3A_308 = arith.constant 2 : i32
      %dma_start3A_309 = arith.constant 0 : i32
      %dma_start3A_310 = arith.constant 0 : i32
      %dma_start3A_311 = tpu.memref_slice %arg9[%dma_start3A_308, %dma_start3A_309, %dma_start3A_310] : memref<4x64x128xf32, #tpu.memory_space<vmem>> -> memref<1x64x128xf32, #tpu.memory_space<vmem>>
      %dma_start3A_312 = tpu.memref_squeeze %dma_start3A_311 : memref<1x64x128xf32, #tpu.memory_space<vmem>> -> memref<64x128xf32, #tpu.memory_space<vmem>>
      %dma_start3A_313 = arith.constant 0 : i32
      %dma_start3A_314 = tpu.memref_slice %arg5[%add3A_262, %dma_start3A_313, %mul3A_2] : memref<200x64x4096xf32, #tpu.memory_space<hbm>> -> memref<1x64x128xf32, #tpu.memory_space<hbm>>
      %dma_start3A_315 = tpu.memref_squeeze %dma_start3A_314 : memref<1x64x128xf32, #tpu.memory_space<hbm>> -> memref<64x128xf32, #tpu.memory_space<hbm>>
      %dma_start3A_316 = arith.constant 0 : i32
      %dma_start3A_317 = tpu.memref_slice %arg5[%add3A_262, %dma_start3A_316, %mul3A_2] : memref<200x64x4096xf32, #tpu.memory_space<hbm>> -> memref<1x64x128xf32, #tpu.memory_space<hbm>>
      %dma_start3A_318 = tpu.memref_squeeze %dma_start3A_317 : memref<1x64x128xf32, #tpu.memory_space<hbm>> -> memref<64x128xf32, #tpu.memory_space<hbm>>
      %dma_start3A_319 = arith.constant 0 : i32
      %dma_start3A_320 = arith.constant 0 : i32
      %dma_start3A_321 = tpu.memref_slice %arg9[%dma_start3A_308, %dma_start3A_319, %dma_start3A_320] : memref<4x64x128xf32, #tpu.memory_space<vmem>> -> memref<1x64x128xf32, #tpu.memory_space<vmem>>
      %dma_start3A_322 = tpu.memref_squeeze %dma_start3A_321 : memref<1x64x128xf32, #tpu.memory_space<vmem>> -> memref<64x128xf32, #tpu.memory_space<vmem>>
      tpu.enqueue_dma source(%dma_start3A_322 : memref<64x128xf32, #tpu.memory_space<vmem>>) target(%dma_start3A_318 : memref<64x128xf32, #tpu.memory_space<hbm>>) target_semaphore(%arg16 : memref<!tpu.dma_semaphore, #tpu.memory_space<semaphore_mem>>)
      %add3A_323 = arith.constant 4 : i32
      %add3A_324 = arith.addi %add3A_262, %add3A_323 : i32
      %lt3A_325 = arith.constant 200 : i32
      %lt3A_326 = arith.cmpi slt, %add3A_324, %lt3A_325 : i32
      %convert_element_type3A_327 = arith.extui %lt3A_326 : i1 to i32
      %cond3A_328 = arith.constant 0 : i32
      %cond3A_329 = arith.cmpi ne, %convert_element_type3A_327, %cond3A_328 : i32
      scf.if %cond3A_329 {
        %add3A_401 = arith.constant 4 : i32
        %add3A_402 = arith.addi %add3A_262, %add3A_401 : i32
        %dma_start3A_403 = arith.constant 2 : i32
        %dma_start3A_404 = arith.constant 0 : i32
        %dma_start3A_405 = arith.constant 0 : i32
        %dma_start3A_406 = tpu.memref_slice %arg8[%dma_start3A_403, %dma_start3A_404, %dma_start3A_405] : memref<4x128x64xf32, #tpu.memory_space<vmem>> -> memref<1x128x64xf32, #tpu.memory_space<vmem>>
        %dma_start3A_407 = tpu.memref_squeeze %dma_start3A_406 : memref<1x128x64xf32, #tpu.memory_space<vmem>> -> memref<128x64xf32, #tpu.memory_space<vmem>>
        %dma_start3A_408 = arith.constant 0 : i32
        %dma_start3A_409 = tpu.memref_slice %arg6[%add3A_402, %dma_start3A_408] : memref<200x128xi32, #tpu.memory_space<vmem>> -> memref<1x128xi32, #tpu.memory_space<vmem>>
        %dma_start3A_410 = tpu.memref_squeeze %dma_start3A_409 : memref<1x128xi32, #tpu.memory_space<vmem>> -> memref<128xi32, #tpu.memory_space<vmem>>
        %dma_start3A_411 = arith.constant 0 : i32
        %dma_start3A_412 = arith.constant 0 : i32
        %dma_start3A_413 = tpu.memref_slice %arg2[%dma_start3A_411, %dma_start3A_412] : memref<1000000x64xf32, #tpu.memory_space<hbm>> -> memref<1000000x64xf32, #tpu.memory_space<hbm>>
        tpu.enqueue_indirect_dma source(%dma_start3A_413 : memref<1000000x64xf32, #tpu.memory_space<hbm>>) target(%dma_start3A_407 : memref<128x64xf32, #tpu.memory_space<vmem>>) offsets(%dma_start3A_410 : memref<128xi32, #tpu.memory_space<vmem>>) semaphore(%arg12 : memref<!tpu.dma_semaphore, #tpu.memory_space<semaphore_mem>>)
      } else {
      }
      %mul3A_330 = arith.constant 4 : i32
      %mul3A_331 = arith.muli %add3A_121, %mul3A_330 : i32
      %add3A_332 = arith.constant 3 : i32
      %add3A_333 = arith.addi %mul3A_331, %add3A_332 : i32
      %ge3A_334 = arith.constant 4 : i32
      %ge3A_335 = arith.cmpi sge, %add3A_333, %ge3A_334 : i32
      %convert_element_type3A_336 = arith.extui %ge3A_335 : i1 to i32
      %cond3A_337 = arith.constant 0 : i32
      %cond3A_338 = arith.cmpi ne, %convert_element_type3A_336, %cond3A_337 : i32
      scf.if %cond3A_338 {
        %sub3A = arith.constant 4 : i32
        %sub3A_401 = arith.subi %add3A_333, %sub3A : i32
        %dma_wait3A_402 = arith.constant 3 : i32
        %dma_wait3A_403 = arith.constant 0 : i32
        %dma_wait3A_404 = arith.constant 0 : i32
        %dma_wait3A_405 = tpu.memref_slice %arg9[%dma_wait3A_402, %dma_wait3A_403, %dma_wait3A_404] : memref<4x64x128xf32, #tpu.memory_space<vmem>> -> memref<1x64x128xf32, #tpu.memory_space<vmem>>
        %dma_wait3A_406 = tpu.memref_squeeze %dma_wait3A_405 : memref<1x64x128xf32, #tpu.memory_space<vmem>> -> memref<64x128xf32, #tpu.memory_space<vmem>>
        %dma_wait3A_407 = arith.constant 0 : i32
        %dma_wait3A_408 = tpu.memref_slice %arg5[%sub3A_401, %dma_wait3A_407, %mul3A_2] : memref<200x64x4096xf32, #tpu.memory_space<hbm>> -> memref<1x64x128xf32, #tpu.memory_space<hbm>>
        %dma_wait3A_409 = tpu.memref_squeeze %dma_wait3A_408 : memref<1x64x128xf32, #tpu.memory_space<hbm>> -> memref<64x128xf32, #tpu.memory_space<hbm>>
        %dma_wait3A_410 = arith.constant 0 : i32
        %dma_wait3A_411 = tpu.memref_slice %arg5[%sub3A_401, %dma_wait3A_410, %mul3A_2] : memref<200x64x4096xf32, #tpu.memory_space<hbm>> -> memref<1x64x128xf32, #tpu.memory_space<hbm>>
        %dma_wait3A_412 = tpu.memref_squeeze %dma_wait3A_411 : memref<1x64x128xf32, #tpu.memory_space<hbm>> -> memref<64x128xf32, #tpu.memory_space<hbm>>
        %dma_wait3A_413 = arith.constant 0 : i32
        %dma_wait3A_414 = arith.constant 0 : i32
        %dma_wait3A_415 = tpu.memref_slice %arg9[%dma_wait3A_402, %dma_wait3A_413, %dma_wait3A_414] : memref<4x64x128xf32, #tpu.memory_space<vmem>> -> memref<1x64x128xf32, #tpu.memory_space<vmem>>
        %dma_wait3A_416 = tpu.memref_squeeze %dma_wait3A_415 : memref<1x64x128xf32, #tpu.memory_space<vmem>> -> memref<64x128xf32, #tpu.memory_space<vmem>>
        tpu.wait_dma2 semaphore(%arg17 : memref<!tpu.dma_semaphore, #tpu.memory_space<semaphore_mem>>) src(%dma_wait3A_416 : memref<64x128xf32, #tpu.memory_space<vmem>>) dst(%dma_wait3A_412 : memref<64x128xf32, #tpu.memory_space<hbm>>)
      } else {
      }
      %dma_wait3A_339 = arith.constant 3 : i32
      %dma_wait3A_340 = arith.constant 0 : i32
      %dma_wait3A_341 = arith.constant 0 : i32
      %dma_wait3A_342 = tpu.memref_slice %arg8[%dma_wait3A_339, %dma_wait3A_340, %dma_wait3A_341] : memref<4x128x64xf32, #tpu.memory_space<vmem>> -> memref<1x128x64xf32, #tpu.memory_space<vmem>>
      %dma_wait3A_343 = tpu.memref_squeeze %dma_wait3A_342 : memref<1x128x64xf32, #tpu.memory_space<vmem>> -> memref<128x64xf32, #tpu.memory_space<vmem>>
      %dma_wait3A_344 = arith.constant 0 : i32
      %dma_wait3A_345 = tpu.memref_slice %arg6[%add3A_333, %dma_wait3A_344] : memref<200x128xi32, #tpu.memory_space<vmem>> -> memref<1x128xi32, #tpu.memory_space<vmem>>
      %dma_wait3A_346 = tpu.memref_squeeze %dma_wait3A_345 : memref<1x128xi32, #tpu.memory_space<vmem>> -> memref<128xi32, #tpu.memory_space<vmem>>
      %dma_wait3A_347 = arith.constant 0 : i32
      %dma_wait3A_348 = arith.constant 0 : i32
      %dma_wait3A_349 = tpu.memref_slice %arg2[%dma_wait3A_347, %dma_wait3A_348] : memref<1000000x64xf32, #tpu.memory_space<hbm>> -> memref<1000000x64xf32, #tpu.memory_space<hbm>>
      tpu.wait_indirect_dma semaphore(%arg13 : memref<!tpu.dma_semaphore, #tpu.memory_space<semaphore_mem>>) src(%dma_wait3A_349 : memref<1000000x64xf32, #tpu.memory_space<hbm>>) dst(%dma_wait3A_343 : memref<128x64xf32, #tpu.memory_space<vmem>>)
      %get3A_350 = arith.index_cast %add3A_333 : i32 to index
      %get3A_351 = arith.constant 0 : index
      %get3A_352 = tpu.vector_load %arg7[%get3A_350, %get3A_351] {strides = array<i32>} : memref<200x64xf32, #tpu.memory_space<vmem>>, vector<16xf32>,
      %get3A_353 = arith.index_cast %add3A_333 : i32 to index
      %get3A_354 = arith.constant 16 : index
      %get3A_355 = tpu.vector_load %arg7[%get3A_353, %get3A_354] {strides = array<i32>} : memref<200x64xf32, #tpu.memory_space<vmem>>, vector<16xf32>,
      %get3A_356 = arith.index_cast %add3A_333 : i32 to index
      %get3A_357 = arith.constant 32 : index
      %get3A_358 = tpu.vector_load %arg7[%get3A_356, %get3A_357] {strides = array<i32>} : memref<200x64xf32, #tpu.memory_space<vmem>>, vector<16xf32>,
      %get3A_359 = arith.index_cast %add3A_333 : i32 to index
      %get3A_360 = arith.constant 48 : index
      %get3A_361 = tpu.vector_load %arg7[%get3A_359, %get3A_360] {strides = array<i32>} : memref<200x64xf32, #tpu.memory_space<vmem>>, vector<16xf32>,
      %add3A_362 = arith.constant 0 : i32
      %add3A_363 = vector.broadcast %add3A_362 : i32 to vector<16xi32>
      %add3A_364 = arith.addi %iota3A, %add3A_363 : vector<16xi32>
      %add3A_365 = arith.constant 16 : i32
      %add3A_366 = vector.broadcast %add3A_365 : i32 to vector<16xi32>
      %add3A_367 = arith.addi %iota3A, %add3A_366 : vector<16xi32>
      %add3A_368 = arith.constant 32 : i32
      %add3A_369 = vector.broadcast %add3A_368 : i32 to vector<16xi32>
      %add3A_370 = arith.addi %iota3A, %add3A_369 : vector<16xi32>
      %add3A_371 = arith.constant 48 : i32
      %add3A_372 = vector.broadcast %add3A_371 : i32 to vector<16xi32>
      %add3A_373 = arith.addi %iota3A, %add3A_372 : vector<16xi32>
      %scan3A_374 = arith.constant 0 : i32
      %scan3A_375 = arith.constant 128 : i32
      %scan3A_376 = arith.addi %scan3A_374, %scan3A_375 : i32
      %scan3A_377 = arith.constant 1 : i32
      scf.for %scan3A_401 = %scan3A_374 to %scan3A_376 step %scan3A_377  : i32 {
        %mul3A_402 = arith.constant 1 : i32
        %mul3A_403 = arith.muli %scan3A_401, %mul3A_402 : i32
        %add3A_404 = arith.constant 0 : i32
        %add3A_405 = arith.addi %add3A_404, %mul3A_403 : i32
        %broadcast_in_dim3A = arith.constant 0 : i32
        %broadcast_in_dim3A_406 = vector.broadcast %broadcast_in_dim3A : i32 to vector<16xi32>
        %add3A_407 = vector.broadcast %add3A_405 : i32 to vector<16xi32>
        %add3A_408 = arith.addi %broadcast_in_dim3A_406, %add3A_407 : vector<16xi32>
        %get3A_409 = arith.constant 3 : i32
        %get3A_410 = arith.index_cast %get3A_409 : i32 to index
        %get3A_411 = arith.index_cast %add3A_405 : i32 to index
        %get3A_412 = arith.constant 0 : index
        %get3A_413 = tpu.vector_load %arg8[%get3A_410, %get3A_411, %get3A_412] {strides = array<i32>} : memref<4x128x64xf32, #tpu.memory_space<vmem>>, vector<16xf32>,
        %add3A_414 = arith.addf %get3A_413, %get3A_352 : vector<16xf32>
        %scatter3A = arith.constant 3 : i32
        %scatter3A_415 = arith.constant 0 : i32
        %scatter3A_416 = arith.constant 0 : i32
        %scatter3A_417 = tpu.memref_slice %arg9[%scatter3A, %scatter3A_415, %scatter3A_416] : memref<4x64x128xf32, #tpu.memory_space<vmem>> -> memref<1x64x128xf32, #tpu.memory_space<vmem>>
        %scatter3A_418 = tpu.memref_squeeze %scatter3A_417 : memref<1x64x128xf32, #tpu.memory_space<vmem>> -> memref<64x128xf32, #tpu.memory_space<vmem>>
        tpu.vector_store_idx %scatter3A_418[%add3A_364, %add3A_408], %add3A_414 : memref<64x128xf32, #tpu.memory_space<vmem>>[vector<16xi32>, vector<16xi32>], vector<16xf32>,
        %get3A_419 = arith.constant 3 : i32
        %get3A_420 = arith.index_cast %get3A_419 : i32 to index
        %get3A_421 = arith.index_cast %add3A_405 : i32 to index
        %get3A_422 = arith.constant 16 : index
        %get3A_423 = tpu.vector_load %arg8[%get3A_420, %get3A_421, %get3A_422] {strides = array<i32>} : memref<4x128x64xf32, #tpu.memory_space<vmem>>, vector<16xf32>,
        %add3A_424 = arith.addf %get3A_423, %get3A_355 : vector<16xf32>
        %scatter3A_425 = arith.constant 3 : i32
        %scatter3A_426 = arith.constant 0 : i32
        %scatter3A_427 = arith.constant 0 : i32
        %scatter3A_428 = tpu.memref_slice %arg9[%scatter3A_425, %scatter3A_426, %scatter3A_427] : memref<4x64x128xf32, #tpu.memory_space<vmem>> -> memref<1x64x128xf32, #tpu.memory_space<vmem>>
        %scatter3A_429 = tpu.memref_squeeze %scatter3A_428 : memref<1x64x128xf32, #tpu.memory_space<vmem>> -> memref<64x128xf32, #tpu.memory_space<vmem>>
        tpu.vector_store_idx %scatter3A_429[%add3A_367, %add3A_408], %add3A_424 : memref<64x128xf32, #tpu.memory_space<vmem>>[vector<16xi32>, vector<16xi32>], vector<16xf32>,
        %get3A_430 = arith.constant 3 : i32
        %get3A_431 = arith.index_cast %get3A_430 : i32 to index
        %get3A_432 = arith.index_cast %add3A_405 : i32 to index
        %get3A_433 = arith.constant 32 : index
        %get3A_434 = tpu.vector_load %arg8[%get3A_431, %get3A_432, %get3A_433] {strides = array<i32>} : memref<4x128x64xf32, #tpu.memory_space<vmem>>, vector<16xf32>,
        %add3A_435 = arith.addf %get3A_434, %get3A_358 : vector<16xf32>
        %scatter3A_436 = arith.constant 3 : i32
        %scatter3A_437 = arith.constant 0 : i32
        %scatter3A_438 = arith.constant 0 : i32
        %scatter3A_439 = tpu.memref_slice %arg9[%scatter3A_436, %scatter3A_437, %scatter3A_438] : memref<4x64x128xf32, #tpu.memory_space<vmem>> -> memref<1x64x128xf32, #tpu.memory_space<vmem>>
        %scatter3A_440 = tpu.memref_squeeze %scatter3A_439 : memref<1x64x128xf32, #tpu.memory_space<vmem>> -> memref<64x128xf32, #tpu.memory_space<vmem>>
        tpu.vector_store_idx %scatter3A_440[%add3A_370, %add3A_408], %add3A_435 : memref<64x128xf32, #tpu.memory_space<vmem>>[vector<16xi32>, vector<16xi32>], vector<16xf32>,
        %get3A_441 = arith.constant 3 : i32
        %get3A_442 = arith.index_cast %get3A_441 : i32 to index
        %get3A_443 = arith.index_cast %add3A_405 : i32 to index
        %get3A_444 = arith.constant 48 : index
        %get3A_445 = tpu.vector_load %arg8[%get3A_442, %get3A_443, %get3A_444] {strides = array<i32>} : memref<4x128x64xf32, #tpu.memory_space<vmem>>, vector<16xf32>,
        %add3A_446 = arith.addf %get3A_445, %get3A_361 : vector<16xf32>
        %scatter3A_447 = arith.constant 3 : i32
        %scatter3A_448 = arith.constant 0 : i32
        %scatter3A_449 = arith.constant 0 : i32
        %scatter3A_450 = tpu.memref_slice %arg9[%scatter3A_447, %scatter3A_448, %scatter3A_449] : memref<4x64x128xf32, #tpu.memory_space<vmem>> -> memref<1x64x128xf32, #tpu.memory_space<vmem>>
        %scatter3A_451 = tpu.memref_squeeze %scatter3A_450 : memref<1x64x128xf32, #tpu.memory_space<vmem>> -> memref<64x128xf32, #tpu.memory_space<vmem>>
        tpu.vector_store_idx %scatter3A_451[%add3A_373, %add3A_408], %add3A_446 : memref<64x128xf32, #tpu.memory_space<vmem>>[vector<16xi32>, vector<16xi32>], vector<16xf32>,
      }
      %scan3A_378 = arith.constant 128 : i32
      %dma_start3A_379 = arith.constant 3 : i32
      %dma_start3A_380 = arith.constant 0 : i32
      %dma_start3A_381 = arith.constant 0 : i32
      %dma_start3A_382 = tpu.memref_slice %arg9[%dma_start3A_379, %dma_start3A_380, %dma_start3A_381] : memref<4x64x128xf32, #tpu.memory_space<vmem>> -> memref<1x64x128xf32, #tpu.memory_space<vmem>>
      %dma_start3A_383 = tpu.memref_squeeze %dma_start3A_382 : memref<1x64x128xf32, #tpu.memory_space<vmem>> -> memref<64x128xf32, #tpu.memory_space<vmem>>
      %dma_start3A_384 = arith.constant 0 : i32
      %dma_start3A_385 = tpu.memref_slice %arg5[%add3A_333, %dma_start3A_384, %mul3A_2] : memref<200x64x4096xf32, #tpu.memory_space<hbm>> -> memref<1x64x128xf32, #tpu.memory_space<hbm>>
      %dma_start3A_386 = tpu.memref_squeeze %dma_start3A_385 : memref<1x64x128xf32, #tpu.memory_space<hbm>> -> memref<64x128xf32, #tpu.memory_space<hbm>>
      %dma_start3A_387 = arith.constant 0 : i32
      %dma_start3A_388 = tpu.memref_slice %arg5[%add3A_333, %dma_start3A_387, %mul3A_2] : memref<200x64x4096xf32, #tpu.memory_space<hbm>> -> memref<1x64x128xf32, #tpu.memory_space<hbm>>
      %dma_start3A_389 = tpu.memref_squeeze %dma_start3A_388 : memref<1x64x128xf32, #tpu.memory_space<hbm>> -> memref<64x128xf32, #tpu.memory_space<hbm>>
      %dma_start3A_390 = arith.constant 0 : i32
      %dma_start3A_391 = arith.constant 0 : i32
      %dma_start3A_392 = tpu.memref_slice %arg9[%dma_start3A_379, %dma_start3A_390, %dma_start3A_391] : memref<4x64x128xf32, #tpu.memory_space<vmem>> -> memref<1x64x128xf32, #tpu.memory_space<vmem>>
      %dma_start3A_393 = tpu.memref_squeeze %dma_start3A_392 : memref<1x64x128xf32, #tpu.memory_space<vmem>> -> memref<64x128xf32, #tpu.memory_space<vmem>>
      tpu.enqueue_dma source(%dma_start3A_393 : memref<64x128xf32, #tpu.memory_space<vmem>>) target(%dma_start3A_389 : memref<64x128xf32, #tpu.memory_space<hbm>>) target_semaphore(%arg17 : memref<!tpu.dma_semaphore, #tpu.memory_space<semaphore_mem>>)
      %add3A_394 = arith.constant 4 : i32
      %add3A_395 = arith.addi %add3A_333, %add3A_394 : i32
      %lt3A_396 = arith.constant 200 : i32
      %lt3A_397 = arith.cmpi slt, %add3A_395, %lt3A_396 : i32
      %convert_element_type3A_398 = arith.extui %lt3A_397 : i1 to i32
      %cond3A_399 = arith.constant 0 : i32
      %cond3A_400 = arith.cmpi ne, %convert_element_type3A_398, %cond3A_399 : i32
      scf.if %cond3A_400 {
        %add3A_401 = arith.constant 4 : i32
        %add3A_402 = arith.addi %add3A_333, %add3A_401 : i32
        %dma_start3A_403 = arith.constant 3 : i32
        %dma_start3A_404 = arith.constant 0 : i32
        %dma_start3A_405 = arith.constant 0 : i32
        %dma_start3A_406 = tpu.memref_slice %arg8[%dma_start3A_403, %dma_start3A_404, %dma_start3A_405] : memref<4x128x64xf32, #tpu.memory_space<vmem>> -> memref<1x128x64xf32, #tpu.memory_space<vmem>>
        %dma_start3A_407 = tpu.memref_squeeze %dma_start3A_406 : memref<1x128x64xf32, #tpu.memory_space<vmem>> -> memref<128x64xf32, #tpu.memory_space<vmem>>
        %dma_start3A_408 = arith.constant 0 : i32
        %dma_start3A_409 = tpu.memref_slice %arg6[%add3A_402, %dma_start3A_408] : memref<200x128xi32, #tpu.memory_space<vmem>> -> memref<1x128xi32, #tpu.memory_space<vmem>>
        %dma_start3A_410 = tpu.memref_squeeze %dma_start3A_409 : memref<1x128xi32, #tpu.memory_space<vmem>> -> memref<128xi32, #tpu.memory_space<vmem>>
        %dma_start3A_411 = arith.constant 0 : i32
        %dma_start3A_412 = arith.constant 0 : i32
        %dma_start3A_413 = tpu.memref_slice %arg2[%dma_start3A_411, %dma_start3A_412] : memref<1000000x64xf32, #tpu.memory_space<hbm>> -> memref<1000000x64xf32, #tpu.memory_space<hbm>>
        tpu.enqueue_indirect_dma source(%dma_start3A_413 : memref<1000000x64xf32, #tpu.memory_space<hbm>>) target(%dma_start3A_407 : memref<128x64xf32, #tpu.memory_space<vmem>>) offsets(%dma_start3A_410 : memref<128xi32, #tpu.memory_space<vmem>>) semaphore(%arg13 : memref<!tpu.dma_semaphore, #tpu.memory_space<semaphore_mem>>)
      } else {
      }
    }
    %scan3A_53 = arith.constant 50 : i32
    %dma_wait3A = arith.constant 0 : i32
    %dma_wait3A_54 = arith.constant 196 : i32
    %dma_wait3A_55 = arith.constant 0 : i32
    %dma_wait3A_56 = arith.constant 0 : i32
    %dma_wait3A_57 = tpu.memref_slice %arg9[%dma_wait3A, %dma_wait3A_55, %dma_wait3A_56] : memref<4x64x128xf32, #tpu.memory_space<vmem>> -> memref<1x64x128xf32, #tpu.memory_space<vmem>>
    %dma_wait3A_58 = tpu.memref_squeeze %dma_wait3A_57 : memref<1x64x128xf32, #tpu.memory_space<vmem>> -> memref<64x128xf32, #tpu.memory_space<vmem>>
    %dma_wait3A_59 = arith.constant 0 : i32
    %dma_wait3A_60 = tpu.memref_slice %arg5[%dma_wait3A_54, %dma_wait3A_59, %mul3A_2] : memref<200x64x4096xf32, #tpu.memory_space<hbm>> -> memref<1x64x128xf32, #tpu.memory_space<hbm>>
    %dma_wait3A_61 = tpu.memref_squeeze %dma_wait3A_60 : memref<1x64x128xf32, #tpu.memory_space<hbm>> -> memref<64x128xf32, #tpu.memory_space<hbm>>
    %dma_wait3A_62 = arith.constant 0 : i32
    %dma_wait3A_63 = tpu.memref_slice %arg5[%dma_wait3A_54, %dma_wait3A_62, %mul3A_2] : memref<200x64x4096xf32, #tpu.memory_space<hbm>> -> memref<1x64x128xf32, #tpu.memory_space<hbm>>
    %dma_wait3A_64 = tpu.memref_squeeze %dma_wait3A_63 : memref<1x64x128xf32, #tpu.memory_space<hbm>> -> memref<64x128xf32, #tpu.memory_space<hbm>>
    %dma_wait3A_65 = arith.constant 0 : i32
    %dma_wait3A_66 = arith.constant 0 : i32
    %dma_wait3A_67 = tpu.memref_slice %arg9[%dma_wait3A, %dma_wait3A_65, %dma_wait3A_66] : memref<4x64x128xf32, #tpu.memory_space<vmem>> -> memref<1x64x128xf32, #tpu.memory_space<vmem>>
    %dma_wait3A_68 = tpu.memref_squeeze %dma_wait3A_67 : memref<1x64x128xf32, #tpu.memory_space<vmem>> -> memref<64x128xf32, #tpu.memory_space<vmem>>
    tpu.wait_dma2 semaphore(%arg14 : memref<!tpu.dma_semaphore, #tpu.memory_space<semaphore_mem>>) src(%dma_wait3A_68 : memref<64x128xf32, #tpu.memory_space<vmem>>) dst(%dma_wait3A_64 : memref<64x128xf32, #tpu.memory_space<hbm>>)
    %dma_wait3A_69 = arith.constant 1 : i32
    %dma_wait3A_70 = arith.constant 197 : i32
    %dma_wait3A_71 = arith.constant 0 : i32
    %dma_wait3A_72 = arith.constant 0 : i32
    %dma_wait3A_73 = tpu.memref_slice %arg9[%dma_wait3A_69, %dma_wait3A_71, %dma_wait3A_72] : memref<4x64x128xf32, #tpu.memory_space<vmem>> -> memref<1x64x128xf32, #tpu.memory_space<vmem>>
    %dma_wait3A_74 = tpu.memref_squeeze %dma_wait3A_73 : memref<1x64x128xf32, #tpu.memory_space<vmem>> -> memref<64x128xf32, #tpu.memory_space<vmem>>
    %dma_wait3A_75 = arith.constant 0 : i32
    %dma_wait3A_76 = tpu.memref_slice %arg5[%dma_wait3A_70, %dma_wait3A_75, %mul3A_2] : memref<200x64x4096xf32, #tpu.memory_space<hbm>> -> memref<1x64x128xf32, #tpu.memory_space<hbm>>
    %dma_wait3A_77 = tpu.memref_squeeze %dma_wait3A_76 : memref<1x64x128xf32, #tpu.memory_space<hbm>> -> memref<64x128xf32, #tpu.memory_space<hbm>>
    %dma_wait3A_78 = arith.constant 0 : i32
    %dma_wait3A_79 = tpu.memref_slice %arg5[%dma_wait3A_70, %dma_wait3A_78, %mul3A_2] : memref<200x64x4096xf32, #tpu.memory_space<hbm>> -> memref<1x64x128xf32, #tpu.memory_space<hbm>>
    %dma_wait3A_80 = tpu.memref_squeeze %dma_wait3A_79 : memref<1x64x128xf32, #tpu.memory_space<hbm>> -> memref<64x128xf32, #tpu.memory_space<hbm>>
    %dma_wait3A_81 = arith.constant 0 : i32
    %dma_wait3A_82 = arith.constant 0 : i32
    %dma_wait3A_83 = tpu.memref_slice %arg9[%dma_wait3A_69, %dma_wait3A_81, %dma_wait3A_82] : memref<4x64x128xf32, #tpu.memory_space<vmem>> -> memref<1x64x128xf32, #tpu.memory_space<vmem>>
    %dma_wait3A_84 = tpu.memref_squeeze %dma_wait3A_83 : memref<1x64x128xf32, #tpu.memory_space<vmem>> -> memref<64x128xf32, #tpu.memory_space<vmem>>
    tpu.wait_dma2 semaphore(%arg15 : memref<!tpu.dma_semaphore, #tpu.memory_space<semaphore_mem>>) src(%dma_wait3A_84 : memref<64x128xf32, #tpu.memory_space<vmem>>) dst(%dma_wait3A_80 : memref<64x128xf32, #tpu.memory_space<hbm>>)
    %dma_wait3A_85 = arith.constant 2 : i32
    %dma_wait3A_86 = arith.constant 198 : i32
    %dma_wait3A_87 = arith.constant 0 : i32
    %dma_wait3A_88 = arith.constant 0 : i32
    %dma_wait3A_89 = tpu.memref_slice %arg9[%dma_wait3A_85, %dma_wait3A_87, %dma_wait3A_88] : memref<4x64x128xf32, #tpu.memory_space<vmem>> -> memref<1x64x128xf32, #tpu.memory_space<vmem>>
    %dma_wait3A_90 = tpu.memref_squeeze %dma_wait3A_89 : memref<1x64x128xf32, #tpu.memory_space<vmem>> -> memref<64x128xf32, #tpu.memory_space<vmem>>
    %dma_wait3A_91 = arith.constant 0 : i32
    %dma_wait3A_92 = tpu.memref_slice %arg5[%dma_wait3A_86, %dma_wait3A_91, %mul3A_2] : memref<200x64x4096xf32, #tpu.memory_space<hbm>> -> memref<1x64x128xf32, #tpu.memory_space<hbm>>
    %dma_wait3A_93 = tpu.memref_squeeze %dma_wait3A_92 : memref<1x64x128xf32, #tpu.memory_space<hbm>> -> memref<64x128xf32, #tpu.memory_space<hbm>>
    %dma_wait3A_94 = arith.constant 0 : i32
    %dma_wait3A_95 = tpu.memref_slice %arg5[%dma_wait3A_86, %dma_wait3A_94, %mul3A_2] : memref<200x64x4096xf32, #tpu.memory_space<hbm>> -> memref<1x64x128xf32, #tpu.memory_space<hbm>>
    %dma_wait3A_96 = tpu.memref_squeeze %dma_wait3A_95 : memref<1x64x128xf32, #tpu.memory_space<hbm>> -> memref<64x128xf32, #tpu.memory_space<hbm>>
    %dma_wait3A_97 = arith.constant 0 : i32
    %dma_wait3A_98 = arith.constant 0 : i32
    %dma_wait3A_99 = tpu.memref_slice %arg9[%dma_wait3A_85, %dma_wait3A_97, %dma_wait3A_98] : memref<4x64x128xf32, #tpu.memory_space<vmem>> -> memref<1x64x128xf32, #tpu.memory_space<vmem>>
    %dma_wait3A_100 = tpu.memref_squeeze %dma_wait3A_99 : memref<1x64x128xf32, #tpu.memory_space<vmem>> -> memref<64x128xf32, #tpu.memory_space<vmem>>
    tpu.wait_dma2 semaphore(%arg16 : memref<!tpu.dma_semaphore, #tpu.memory_space<semaphore_mem>>) src(%dma_wait3A_100 : memref<64x128xf32, #tpu.memory_space<vmem>>) dst(%dma_wait3A_96 : memref<64x128xf32, #tpu.memory_space<hbm>>)
    %dma_wait3A_101 = arith.constant 3 : i32
    %dma_wait3A_102 = arith.constant 199 : i32
    %dma_wait3A_103 = arith.constant 0 : i32
    %dma_wait3A_104 = arith.constant 0 : i32
    %dma_wait3A_105 = tpu.memref_slice %arg9[%dma_wait3A_101, %dma_wait3A_103, %dma_wait3A_104] : memref<4x64x128xf32, #tpu.memory_space<vmem>> -> memref<1x64x128xf32, #tpu.memory_space<vmem>>
    %dma_wait3A_106 = tpu.memref_squeeze %dma_wait3A_105 : memref<1x64x128xf32, #tpu.memory_space<vmem>> -> memref<64x128xf32, #tpu.memory_space<vmem>>
    %dma_wait3A_107 = arith.constant 0 : i32
    %dma_wait3A_108 = tpu.memref_slice %arg5[%dma_wait3A_102, %dma_wait3A_107, %mul3A_2] : memref<200x64x4096xf32, #tpu.memory_space<hbm>> -> memref<1x64x128xf32, #tpu.memory_space<hbm>>
    %dma_wait3A_109 = tpu.memref_squeeze %dma_wait3A_108 : memref<1x64x128xf32, #tpu.memory_space<hbm>> -> memref<64x128xf32, #tpu.memory_space<hbm>>
    %dma_wait3A_110 = arith.constant 0 : i32
    %dma_wait3A_111 = tpu.memref_slice %arg5[%dma_wait3A_102, %dma_wait3A_110, %mul3A_2] : memref<200x64x4096xf32, #tpu.memory_space<hbm>> -> memref<1x64x128xf32, #tpu.memory_space<hbm>>
    %dma_wait3A_112 = tpu.memref_squeeze %dma_wait3A_111 : memref<1x64x128xf32, #tpu.memory_space<hbm>> -> memref<64x128xf32, #tpu.memory_space<hbm>>
    %dma_wait3A_113 = arith.constant 0 : i32
    %dma_wait3A_114 = arith.constant 0 : i32
    %dma_wait3A_115 = tpu.memref_slice %arg9[%dma_wait3A_101, %dma_wait3A_113, %dma_wait3A_114] : memref<4x64x128xf32, #tpu.memory_space<vmem>> -> memref<1x64x128xf32, #tpu.memory_space<vmem>>
    %dma_wait3A_116 = tpu.memref_squeeze %dma_wait3A_115 : memref<1x64x128xf32, #tpu.memory_space<vmem>> -> memref<64x128xf32, #tpu.memory_space<vmem>>
    tpu.wait_dma2 semaphore(%arg17 : memref<!tpu.dma_semaphore, #tpu.memory_space<semaphore_mem>>) src(%dma_wait3A_116 : memref<64x128xf32, #tpu.memory_space<vmem>>) dst(%dma_wait3A_112 : memref<64x128xf32, #tpu.memory_space<hbm>>)
    return
  }
}

</mosaic_0001>

<sc_bundles>
// kernel: kernel.3.cloned.1.call-start
scs
__scs_entry_jumppad:
0x0: {  	(pc) =	sbr.rel $0x88, $3  }
0x1: {  	(tag) =	ssettag $0x0;
	lr =	simm.s32 $0x1  }
0x2: {  	[smem:$0x3F9F] =	sst lr;
	_ =	strace $0xD0000000  }
0x3: {  	_ = 	snop  }
0x4: {  	_ = 	snop  }
0x5: {  	_ = 	snop  }
0x6: {  	_ = 	snop  }
0x7: {  	_ = 	snop  }
__scs_overlays_trampoline_lowered:
0x8: {  	[smem:$0x3FAE] =	sst s0  }
0x9: {  	[smem:$0x3FAF] =	sst s1  }
0xa: {  	[smem:$0x3FB0] =	sst s2  }
0xb: {  	[smem:$0x3FB1] =	sst s3  }
0xc: {  	[smem:$0x3FB2] =	sst s4  }
0xd: {  	[smem:$0x3FB3] =	sst s5  }
0xe: {  	[smem:$0x3FB4] =	sst s6  }
0xf: {  	[smem:$0x3FB5] =	sst s7  }
0x10: {  	[smem:$0x3FB6] =	sst s8  }
0x11: {  	[smem:$0x3FB7] =	sst s9;
	s0 =	simm.s32 @!p0 $0x0  }
0x12: {  	s1 =	sld [smem:$0x3F9D];
	s0 =	simm.s32 @p0 $0x1  }
0x13: {  	[smem:$0x3FB8] =	sst s0;
	s0 =	simm.s32 @!p1 $0x0  }
0x14: {  	s2 =	sld [smem:$0x3F9C];
	s0 =	simm.s32 @p1 $0x1  }
0x15: {  	[smem:$0x3FB9] =	sst s0;
	s0 =	simm.s32 @!p2 $0x0  }
0x16: {  	s3 =	sld [smem:$0x3FDB];
	s0 =	simm.s32 @p2 $0x1  }
0x17: {  	s4 =	simm.s32 $0x1BF5;
	[smem:$0x3FBB] =	sst s0  }
0x18: {  	s0 =	sld [smem:$0x3F9E];
	_ =	swait.ge [sflag:s4], $0x0  }
0x19: {  	s7 =	sld [smem:$0x3F9F]  }
0x1a: {  	s8 =	sadd.s32 $0xFFFFE003, lr  }
0x1b: {  	s9 =	sadd.s32 $0xFFFFFEF7, lr;
	s5 =	simm.s32 $0xFFFFFFFF;
	p2 =	slt.u32 s8, $0xFFFFF086  }
0x1c: {  	p1 =	slt.u32 s9, $0xF7A;
	s5 =	simm.s32 @!p2 $0x0  }
0x1d: {  	s5 =	simm.s32 @p1 $0x1;
	p0 =	seq.s32 s7, s2  }
0x1e: {  	s7 =	smul.u32 @!p0 $0xF7A, s2;
	p2 =	seq.s32 @!p0 s5, $0x0  }
0x1f: {  	s9 =	smul.u32 $0xF7A, s1;
	s8 =	simm.s32 @!p0 $0x1BF5;
	p2 =	por !p2, p0  }
0x20: {  	[sflag:s8] =	ssyncset.s32 @!p0 $0xFFFFF086;
	s6 =	sadd.s32 @!p0 s3, s7;
	s7 =	simm.s32 @!p0 $0x108  }
0x21: {  	s3 =	sadd.s32 s3, s9;
	s6 =	sadd.s32 @!p0 $0x88, s6;
	s7 =	simm.s32 @p2 $0x1082  }
0x22: {  	[simem:s7], [sflag:s8] =	dma.local @!p0 [hbm:s6], $0xF7A  }
0x23: {  	s9 =	sor.u32 $0xD0000000, s2;
	s6 =	simm.s32 $0x108;
	_ =	swait.ge @!p0 [sflag:s8], $0x0  }
0x24: {  	s3 =	sadd.s32 $0x88, s3;
	s6 =	simm.s32 @!p1 $0x1082;
	[sflag:s4] =	ssyncset.s32 $0xFFFFF086  }
0x25: {  	[simem:s6], [sflag:s4] =	dma.local [hbm:s3], $0xF7A  }
0x26: {  	[smem:$0x3F9F] =	sst s1;
	(tag) =	ssettag s2;
	_ =	strace s9  }
0x27: {  	s1 =	sld [smem:$0x3FAF]  }
0x28: {  	s2 =	sld [smem:$0x3FB0]  }
0x29: {  	s4 =	sld [smem:$0x3FB2]  }
0x2a: {  	p0 =	seq.s32 s5, $0x0;
	s5 =	sld [smem:$0x3FB3]  }
0x2b: {  	s6 =	sld [smem:$0x3FB4]  }
0x2c: {  	s7 =	sld [smem:$0x3FB5]  }
0x2d: {  	s3 =	simm.s32 $0x108;
	s8 =	sld [smem:$0x3FB6]  }
0x2e: {  	s3 =	simm.s32 @!p0 $0x1082;
	s9 =	sld [smem:$0x3FB7]  }
0x2f: {  	lr =	sadd.s32 s0, s3;
	s0 =	sld [smem:$0x3FAE]  }
0x30: {  	s3 =	sld [smem:$0x3FB1]  }
0x31: {  	[smem:$0x3FBA] =	sst s10  }
0x32: {  	s10 =	sld [smem:$0x3FB8];
	_ =	sdelay $0x3  }
0x33: {  	p0 =	seq.s32 s10, $0x1;
	s10 =	sld [smem:$0x3FBA];
	_ =	sdelay $0x3  }
0x34: {  	[smem:$0x3FBA] =	sst s10  }
0x35: {  	s10 =	sld [smem:$0x3FB9];
	_ =	sdelay $0x3  }
0x36: {  	p1 =	seq.s32 s10, $0x1;
	s10 =	sld [smem:$0x3FBA];
	_ =	sdelay $0x3  }
0x37: {  	[smem:$0x3FBA] =	sst s10  }
0x38: {  	s10 =	sld [smem:$0x3FBB]  }
0x39: {  	_ = 	snop;
	(pc) =	sbr.ind lr, $3  }
0x3a: {  	_ = 	snop  }
0x3b: {  	_ = 	snop  }
0x3c: {  	p2 =	seq.s32 s10, $0x1;
	s10 =	sld [smem:$0x3FBA]  }
0x3d: {  	_ =	shalt  }
0x3e: {  	_ =	shalt  }
0x3f: {  	_ =	shalt  }
0x40: {  	_ =	shalt  }
0x41: {  	_ =	shalt  }
0x42: {  	_ =	shalt  }
0x43: {  	_ =	shalt  }
0x44: {  	_ =	shalt  }
0x45: {  	_ =	shalt  }
0x46: {  	_ =	shalt  }
0x47: {  	_ =	shalt  }
0x48: {  	_ =	shalt  }
0x49: {  	_ =	shalt  }
0x4a: {  	_ =	shalt  }
0x4b: {  	_ =	shalt  }
0x4c: {  	_ =	shalt  }
0x4d: {  	_ =	shalt  }
0x4e: {  	_ =	shalt  }
0x4f: {  	_ =	shalt  }
0x50: {  	_ =	shalt  }
0x51: {  	_ =	shalt  }
0x52: {  	_ =	shalt  }
0x53: {  	_ =	shalt  }
0x54: {  	_ =	shalt  }
0x55: {  	_ =	shalt  }
0x56: {  	_ =	shalt  }
0x57: {  	_ =	shalt  }
0x58: {  	_ =	shalt  }
0x59: {  	_ =	shalt  }
0x5a: {  	_ =	shalt  }
0x5b: {  	_ =	shalt  }
0x5c: {  	_ =	shalt  }
0x5d: {  	_ =	shalt  }
0x5e: {  	_ =	shalt  }
0x5f: {  	_ =	shalt  }
0x60: {  	_ =	shalt  }
0x61: {  	_ =	shalt  }
0x62: {  	_ =	shalt  }
0x63: {  	_ =	shalt  }
0x64: {  	_ =	shalt  }
0x65: {  	_ =	shalt  }
0x66: {  	_ =	shalt  }
0x67: {  	_ =	shalt  }
0x68: {  	_ =	shalt  }
0x69: {  	_ =	shalt  }
0x6a: {  	_ =	shalt  }
0x6b: {  	_ =	shalt  }
0x6c: {  	_ =	shalt  }
0x6d: {  	_ =	shalt  }
0x6e: {  	_ =	shalt  }
0x6f: {  	_ =	shalt  }
0x70: {  	_ =	shalt  }
0x71: {  	_ =	shalt  }
0x72: {  	_ =	shalt  }
0x73: {  	_ =	shalt  }
0x74: {  	_ =	shalt  }
0x75: {  	_ =	shalt  }
0x76: {  	_ =	shalt  }
0x77: {  	_ =	shalt  }
0x78: {  	_ =	shalt  }
0x79: {  	_ =	shalt  }
0x7a: {  	_ =	shalt  }
0x7b: {  	_ =	shalt  }
0x7c: {  	_ =	shalt  }
0x7d: {  	_ =	shalt  }
0x7e: {  	_ =	shalt  }
0x7f: {  	_ =	shalt  }
0x80: {  	_ =	shalt  }
0x81: {  	_ =	shalt  }
0x82: {  	_ =	shalt  }
0x83: {  	_ =	shalt  }
0x84: {  	_ =	shalt  }
0x85: {  	_ =	shalt  }
0x86: {  	_ =	shalt  }
0x87: {  	_ =	shalt  }
.Lfunc_end0:
.L_simem_size_0:
called_computation_lowered:
.L_overlay_start_0:
0x88: {  	s2 =	sld [smem:$0x3FD9]  }
0x89: {  	s3 =	sld [smem:$0x3FFE];
	_ =	sdelay $0x1  }
0x8a: {  	s1 =	srdreg.scid  }
0x8b: {  	s0 =	sand.u32 $0x1, s1  }
0x8c: {  	s17 =	sshll.u32 s0, $0xA;
	s2 =	sadd.s32 s3, s2  }
0x8d: {  	s2 =	sadd.s32 s2, s17  }
0x8e: {  	[smem:$0x3FC6] =	sst s2  }
0x8f: {  	_ = 	snop  }
0x90: {  	s2 =	sld [smem:$0x3FD0];
	(tm) =	ssettm $0x1  }
0x91: {  	s18 =	sld [smem:$0x3FFB];
	_ =	sdelay $0x3  }
0x92: {  	_ =	strace s18  }
0x93: {  	s3 =	sld [smem:$0x3FFC];
	_ =	sdelay $0x3  }
0x94: {  	_ =	strace s3  }
0x95: {  	s3 =	sld [smem:$0x3FFD];
	_ =	sdelay $0x3  }
0x96: {  	_ =	strace s3  }
0x97: {  	_ =	strace $0x8FFFFFFF  }
0x98: {  	s19 =	sld [smem:$0x3FDB];
	_ =	sdelay $0x1  }
0x99: {  	s4 =	simm.s32 $_scs_section_size  }
0x9a: {  	s5 =	simm.s32 $_size__tile_overlayer_lowered;
	s6 =	simm.s32 $_tile_overlayer_lowered  }
0x9b: {  	s22 =	simm.s32 $0x1BFF;
	s21 =	sshll.u32 s6, $0x1;
	s3 =	sadd.s32 s4, s19  }
0x9c: {  	s7 =	simm.s32 $0x0;
	s20 =	sshll.u32 s5, $0x1;
	s5 =	sadd.s32 s21, s3  }
0x9d: {  	[timem:s7], [sflag:s22] =	dma.local [hbm:s5], s20  }
0x9e: {  	_ =	swait.ge [sflag:s22], s20  }
0x9f: {  	s4 =	ssub.s32 $0x0, s20;
	[sflag:s22] =	ssyncset.done $0x0  }
0xa0: {  	[sflag:s22] =	ssyncadd.s32 s4;
	_ =	sdelay $0x1  }
0xa1: {  	s23 =	simm.s32 $0x1B8B  }
0xa2: {  	_ =	swait.ge [sflag:s23], $0x1  }
0xa3: {  	[sflag:s23] =	ssyncset.done $0x0  }
0xa4: {  	s25 =	simm.s32 $0x1B8E;
	s24 =	sld [smem:$0x3FFE];
	[sflag:s23] =	ssyncadd.s32 $0xFFFFFFFF  }
0xa5: {  	s26 =	simm.s32 $execute0_lowered;
	[smem:$0x3FD2] =	sst s25  }
0xa6: {  	s5 =	sshll.u32 s26, $0x1;
	_ =	strace $0x80000046;
	[dreg:$0x1] =	wrdreg $0xFFFFFFFF  }
0xa7: {  	s28 =	simm.s32 $_size_execute0_lowered;
	s3 =	sadd.s32 s3, s5;
	[dreg:$0x0] =	wrdreg $0x0  }
0xa8: {  	s5 =	sshll.u32 s28, $0x1;
	[dreg:$0x2] =	wrdreg s3  }
0xa9: {  	[dreg:$0x3] =	wrdreg s5  }
0xaa: {  	[dreg:$0x4] =	wrdreg $0xC0  }
0xab: {  	_ =	task [dreg:s7], $0x5FFFF  }
0xac: {  	[dreg:$0x1] =	wrdreg $0xFFFFFFFF  }
0xad: {  	[dreg:$0x0] =	wrdreg $0x60  }
0xae: {  	[dreg:$0x2] =	wrdreg s24  }
0xaf: {  	[dreg:$0x3] =	wrdreg s2  }
0xb0: {  	[dreg:$0x4] =	wrdreg $0x9  }
0xb1: {  	_ =	task.clear_ibuf [dreg:s7], $0x5FFFF;
	_ =	strace $0x90000046  }
0xb2: {  	s29 =	simm.s32 $0x9;
	_ =	strace $0x80000048  }
0xb3: {  	_ =	swait.ge [sflag:s29], $0x1  }
0xb4: {  	[sflag:s29] =	ssyncadd.s32 $0xFFFFFFFF  }
0xb5: {  	_ =	strace $0x90000048  }
0xb6: {  	_ =	sfence  }
0xb7: {  	s30 =	sld [smem:$0x0];
	_ =	sdelay $0x2  }
0xb8: {  	s31 =	sshll.u32 s1, $0xD;
	s1 =	sshrl.u32 s1, $0x2  }
0xb9: {  	s3 =	sand.u32 $0x4000, s31;
	s1 =	sadd.s32 s1, s30  }
0xba: {  	s0 =	sor.u32 s3, s0;
	s1 =	sshll.u32 s1, $0x11  }
0xbb: {  	s0 =	sor.u32 s1, s0  }
0xbc: {  	s0 =	sadd.s32 $0x8F2B, s0  }
0xbd: {  	[sflag:s0] =	ssyncadd.remote.s32 $0x1  }
0xbe: {  	_ =	sfence.sel $0xFFFF  }
0xbf: {  	[dreg:$0x0] =	wrdreg $0xFFFFFFFF;
	(pc) =	sbr.abs _section_cstart, $3  }
0xc0: {  	[dreg:$0x1] =	wrdreg $0xFFFFFFFF  }
0xc1: {  	_ =	task.clear_ibuf [dreg:s7], $0x2FFFF;
	_ =	strace $0x9FFFFFFF  }
0xc2: {  	(tm) =	ssettm $0x7FFFFFFF  }
0xc3: {  	_ =	shalt  }
tec
execute0_lowered:
.L_overlay_start_1:
0x0: {  	(tag) =	ssettag $0x1  }
0x1: {  	s0 =	rddreg [dreg:$0x0]  }
0x2: {  	s1 =	rddreg [dreg:$0x1]  }
0x3: {  	s2 =	simm.s32 $0x0;
	s3 =	srdreg.scid;
	s6 =	stileid.u32  }
0x4: {  	s10 =	simm.s32 $0x1000;
	s11 =	simm.s32 $0x9;
	s18 =	simm.s32 $0xF600  }
0x5: {  	s19 =	simm.s32 $0x1;
	s20 =	simm.s32 $0x11600;
	s21 =	simm.s32 $0x2  }
0x6: {  	s22 =	simm.s32 $0x13600;
	s23 =	simm.s32 $0x3;
	s24 =	simm.s32 $0x15600  }
0x7: {  	s25 =	simm.s32 $0x4;
	s28 =	simm.s32 $0x5;
	s29 =	simm.s32 $0x6  }
0x8: {  	s30 =	simm.s32 $0x7;
	s31 =	simm.s32 $0x8;
	[smem:$0x7FF] =	sst s2  }
0x9: {  	s4 =	sand.u32 $0x1, s3;
	s6 =	sshll.u32 s6, $0x7;
	s3 =	sadd.s32 $0xF42C00, s0  }
.Ltmp0:
0xa: {  	_ =	strace $0x80000047;
	s5 =	sshll.u32 s4, $0xB;
	(pc) =	sbr.rel .LBB2_1-.Ltmp0, $4  }
0xb: {  	v0 =	vlaneseq.u32;
	s7 =	ssub.s32 $0x2, s4;
	s4 =	sor.u32 s6, s5;
	s5 =	sadd.s32 $0x200, s0  }
0xc: {  	v0 =	vmul.u32 $0x80, v0;
	s8 =	sshrl.u32 s7, $0x1;
	s6 =	sadd.s32 $0xA00, s0;
	s9 =	sshrl.u32 s4, $0x3  }
0xd: {  	s0 =	simm.s32 $0x0;
	s26 =	ssub.s32 s7, s8;
	s7 =	sadd.s32 s1, s9  }
0xe: {  	v1 =	vor.u32 $0x800, v0;
	v2 =	vor.u32 $0x1000, v0;
	v3 =	vor.u32 $0x1800, v0;
	s8 =	smax.u32 s26, $0x1;
	s9 =	simm.s32 $0x80;
	s26 =	simm.s32 $0x17600  }
.LBB2_18:
0xf: {  	_ =	swait.ge [sflag:s28], $0x2000  }
0x10: {  	[sflag:s28] =	ssyncset.done $0x0  }
0x11: {  	[sflag:s28] =	ssyncadd.s32 $0xFFFFE000  }
0x12: {  	_ =	swait.ge [sflag:s29], $0x2000  }
0x13: {  	[sflag:s29] =	ssyncset.done $0x0  }
0x14: {  	s0 =	sadd.s32 $0x1, s0;
	[sflag:s29] =	ssyncadd.s32 $0xFFFFE000  }
0x15: {  	p0 =	sne.s32 s0, s8;
	_ =	swait.ge [sflag:s30], $0x2000  }
.Ltmp1:
0x16: {  	[sflag:s30] =	ssyncset.done $0x0;
	(pc) =	sbr.rel @!p0 .LBB2_19-.Ltmp1, $4  }
0x17: {  	[sflag:s30] =	ssyncadd.s32 $0xFFFFE000  }
0x18: {  	_ =	swait.ge [sflag:s31], $0x2000  }
0x19: {  	[sflag:s31] =	ssyncset.done $0x0  }
0x1a: {  	[sflag:s31] =	ssyncadd.s32 $0xFFFFE000  }
.LBB2_1:
0x1b: {  	[tilespmem:s2], [sflag:$0x9] =	stream.strided.gather [hbm4b:s7+s9], $0x6400, s10, s9, $0x38;
	[tilespmem:$0x19600] =	vst v63  }
0x1c: {  	_ =	swait.ge [sflag:s11], $0x6400  }
0x1d: {  	[sflag:s11] =	ssyncset.done $0x0  }
0x1e: {  	s1 =	simm.s32 $0x6400;
	[sflag:s11] =	ssyncadd.s32 $0xFFFF9C00  }
0x1f: {  	[tilespmem:s1], [sflag:$0x9] =	stream.linear.gather [hbm4b:s5+s2], $0x3200, $0x38;
	[tilespmem:$0x19600] =	vst v63  }
0x20: {  	_ =	swait.ge [sflag:s11], $0x3200  }
0x21: {  	[sflag:s11] =	ssyncset.done $0x0  }
0x22: {  	s14 =	simm.s32 $0x9600;
	[sflag:s11] =	ssyncadd.s32 $0xFFFFCE00  }
0x23: {  	[tilespmem:s14], [sflag:$0x1] =	stream.indirect.gather [hbm4b:s3+s9], $0x40, s2, s9, $0xb8;
	[tilespmem:$0x19600] =	vst v63  }
0x24: {  	s15 =	simm.s32 $0xB600  }
0x25: {  	[tilespmem:s15], [sflag:$0x2] =	stream.indirect.gather [hbm4b:s3+s9], $0x40, s9, s9, $0xb8;
	[tilespmem:$0x19600] =	vst v63  }
0x26: {  	s16 =	simm.s32 $0x100;
	s12 =	simm.s32 $0xD600  }
0x27: {  	[tilespmem:s12], [sflag:$0x3] =	stream.indirect.gather [hbm4b:s3+s9], $0x40, s16, s9, $0xb8;
	[tilespmem:$0x19600] =	vst v63  }
0x28: {  	s17 =	simm.s32 $0x180;
	s1 =	simm.s32 $0x0  }
0x29: {  	[tilespmem:s18], [sflag:$0x4] =	stream.indirect.gather [hbm4b:s3+s9], $0x40, s17, s9, $0xb8;
	[tilespmem:$0x19600] =	vst v63  }
.LBB2_2:
0x2a: {  	p0 =	seq.s32 s1, $0x0  }
0x2b: {  	s12 =	simm.s32 @!p0 $0x5  }
0x2c: {  	_ =	swait.ge @!p0 [sflag:s12], $0x2000  }
0x2d: {  	[sflag:s12] =	ssyncset.done @!p0 $0x0  }
0x2e: {  	[sflag:s12] =	ssyncadd.s32 @!p0 $0xFFFFE000  }
0x2f: {  	_ =	swait.ge [sflag:s19], $0x2000  }
0x30: {  	s17 =	sshll.u32 s1, $0x8;
	s13 =	simm.s32 $0x0;
	[sflag:s19] =	ssyncset.done $0x0  }
0x31: {  	v4 =	vmov s13;
	s12 =	sand.u32 $0x3FFFFF00, s17;
	[sflag:s19] =	ssyncadd.s32 $0xFFFFE000  }
0x32: {  	s13 =	simm.s32 $0x9620;
	v4 =	vand.u32 $0x7F, v4;
	v6 =	vld [tilespmem:s12+$0x6400]  }
0x33: {  	v9 =	vbroadcast v4, $0x0;
	v8 =	vld [tilespmem:s13+$0xFFFFFFE0];
	_ =	sdelay $0x1  }
0x34: {  	v10 =	vor.u32 v0, v9;
	_ =	sdelay $0x2  }
0x35: {  	v7 =	vld [tilespmem:s12+$0x6410];
	v8 =	vadd.f32 v8, v6  }
0x36: {  	v5 =	vld [tilespmem:s12+$0x6420]  }
0x37: {  	v4 =	vld [tilespmem:s12+$0x6430];
	[tilespmem:v10+s20+$0x0] =	vst.idx.msk $0xffff, v8  }
0x38: {  	v8 =	vld [tilespmem:s13+$0xFFFFFFF0];
	_ =	sdelay $0x1  }
0x39: {  	v10 =	vor.u32 v1, v9;
	_ =	sdelay $0x2  }
0x3a: {  	v8 =	vadd.f32 v8, v7;
	_ =	sdelay $0x1  }
0x3b: {  	[tilespmem:v10+s20+$0x0] =	vst.idx.msk $0xffff, v8  }
0x3c: {  	v8 =	vld [tilespmem:s13+$0x0];
	_ =	sdelay $0x1  }
0x3d: {  	v10 =	vor.u32 v2, v9;
	_ =	sdelay $0x2  }
0x3e: {  	v8 =	vadd.f32 v8, v5;
	_ =	sdelay $0x1  }
0x3f: {  	[tilespmem:v10+s20+$0x0] =	vst.idx.msk $0xffff, v8  }
0x40: {  	v10 =	vld [tilespmem:s13+$0x10];
	_ =	sdelay $0x1  }
0x41: {  	v8 =	vor.u32 v3, v9;
	_ =	sdelay $0x1  }
0x42: {  	s15 =	simm.s32 $0x1  }
0x43: {  	s14 =	simm.s32 $0x2;
	s12 =	sshll.u32 s1, $0x2;
	v9 =	vadd.f32 v10, v4;
	v10 =	vmov s15  }
.LBB2_3:
0x44: {  	p0 =	sne.s32 s14, $0x7F  }
0x45: {  	v10 =	vand.u32 $0x7F, v10;
	[tilespmem:v8+s20+$0x0] =	vst.idx.msk $0xffff, v9;
	s13 =	sadd.s32 $0x40, s13;
	s15 =	smov.u32 s14;
	s14 =	sadd.s32 $0x1, s14  }
0x46: {  	v8 =	vld [tilespmem:s13+$0xFFFFFFE0];
	v9 =	vbroadcast v10, $0x0;
	_ =	sdelay $0x1  }
0x47: {  	v10 =	vor.u32 v0, v9;
	_ =	sdelay $0x2  }
0x48: {  	v8 =	vadd.f32 v8, v6;
	_ =	sdelay $0x1  }
0x49: {  	[tilespmem:v10+s20+$0x0] =	vst.idx.msk $0xffff, v8  }
0x4a: {  	v8 =	vld [tilespmem:s13+$0xFFFFFFF0];
	_ =	sdelay $0x1  }
0x4b: {  	v10 =	vor.u32 v1, v9;
	_ =	sdelay $0x2  }
0x4c: {  	v8 =	vadd.f32 v8, v7;
	_ =	sdelay $0x1  }
0x4d: {  	[tilespmem:v10+s20+$0x0] =	vst.idx.msk $0xffff, v8  }
0x4e: {  	v8 =	vld [tilespmem:s13+$0x0];
	_ =	sdelay $0x1  }
0x4f: {  	v10 =	vor.u32 v2, v9;
	_ =	sdelay $0x2  }
0x50: {  	v8 =	vadd.f32 v8, v5;
	_ =	sdelay $0x1  }
0x51: {  	[tilespmem:v10+s20+$0x0] =	vst.idx.msk $0xffff, v8  }
0x52: {  	v10 =	vld [tilespmem:s13+$0x10];
	_ =	sdelay $0x1  }
.Ltmp2:
0x53: {  	v8 =	vor.u32 v3, v9;
	(pc) =	sbr.rel @p0 .LBB2_3-.Ltmp2, $3  }
0x54: {  	_ =	sdelay $0x1  }
0x55: {  	v9 =	vadd.f32 v10, v4  }
0x56: {  	v10 =	vmov s15  }
0x57: {  	_ =	sdelay $0x3  }
0x58: {  	v10 =	vand.u32 $0x7F, v10;
	[tilespmem:v8+s20+$0x0] =	vst.idx.msk $0xffff, v9;
	s13 =	sadd.s32 $0x40, s13  }
0x59: {  	v8 =	vld [tilespmem:s13+$0xFFFFFFE0];
	v60 =	vbroadcast v10, $0x0;
	_ =	sdelay $0x1  }
0x5a: {  	v10 =	vor.u32 v0, v60;
	_ =	sdelay $0x2  }
0x5b: {  	v6 =	vadd.f32 v8, v6;
	_ =	sdelay $0x1  }
0x5c: {  	[tilespmem:v10+s20+$0x0] =	vst.idx.msk $0xffff, v6  }
0x5d: {  	v6 =	vld [tilespmem:s13+$0xFFFFFFF0];
	_ =	sdelay $0x1  }
0x5e: {  	v61 =	vor.u32 v1, v60;
	_ =	sdelay $0x2  }
0x5f: {  	v6 =	vadd.f32 v6, v7;
	_ =	sdelay $0x1  }
0x60: {  	[tilespmem:v61+s20+$0x0] =	vst.idx.msk $0xffff, v6  }
0x61: {  	v6 =	vld [tilespmem:s13+$0x0];
	_ =	sdelay $0x1  }
0x62: {  	v62 =	vor.u32 v2, v60;
	_ =	sdelay $0x2  }
0x63: {  	v5 =	vadd.f32 v6, v5;
	_ =	sdelay $0x1  }
0x64: {  	[tilespmem:v62+s20+$0x0] =	vst.idx.msk $0xffff, v5  }
0x65: {  	v5 =	vld [tilespmem:s13+$0x10];
	_ =	sdelay $0x1  }
0x66: {  	v63 =	vor.u32 v3, v60;
	_ =	sdelay $0x1  }
0x67: {  	s17 =	sshll.u32 s1, $0x14  }
0x68: {  	p0 =	seq.s32 s1, $0x31;
	s13 =	sor.u32 s4, s17;
	v4 =	vadd.f32 v5, v4  }
0x69: {  	p1 =	seq.s32 @!p0 s1, $0x0;
	s13 =	sshrl.u32 s13, $0x3  }
0x6a: {  	p1 =	por p0, !p1;
	s13 =	sadd.s32 s6, s13;
	[tilespmem:v63+s20+$0x0] =	vst.idx.msk $0xffff, v4  }
0x6b: {  	[hbm4b:s13+s9] =	stream.strided.scatter [tilespmem:s20], [sflag:$0x5], $0x2000, s10, s9, $0x38;
	[tilespmem:$0x19600] =	vst v63  }
.Ltmp3:
0x6c: {  	s13 =	sshll.u32 @!p0 s1, $0x9;
	(pc) =	sbr.rel @!p1 .LBB2_6-.Ltmp3, $4  }
0x6d: {  	s13 =	sand.u32 @!p0 $0x3FFFFE00, s13  }
0x6e: {  	s15 =	simm.s32 @!p0 $0x80;
	s16 =	simm.s32 @!p0 $0x9600;
	s14 =	sadd.s32 @!p0 $0x200, s13  }
0x6f: {  	[tilespmem:s16], [sflag:$0x1] =	stream.indirect.gather @!p0 [hbm4b:s3+s15], $0x40, s14, s15, $0xb8;
	[tilespmem:$0x19600] =	vst v63  }
0x70: {  	s14 =	sor.u32 @!p0 $0x1, s12  }
0x71: {  	_ =	swait.ge [sflag:s29], $0x2000  }
0x72: {  	[sflag:s29] =	ssyncset.done $0x0  }
0x73: {  	s14 =	simm.s32 @p0 $0xC5;
	[sflag:s29] =	ssyncadd.s32 $0xFFFFE000  }
.LBB2_6:
0x74: {  	_ =	swait.ge [sflag:s21], $0x2000  }
0x75: {  	s15 =	sshll.u32 s14, $0x8;
	s16 =	simm.s32 $0x0;
	[sflag:s21] =	ssyncset.done $0x0  }
0x76: {  	s17 =	sshra.s32 s15, $0x2;
	v4 =	vmov s16;
	[sflag:s21] =	ssyncadd.s32 $0xFFFFE000  }
0x77: {  	s15 =	simm.s32 $0xB630;
	v4 =	vand.u32 $0x7F, v4;
	v6 =	vld [tilespmem:s17+$0x6400]  }
0x78: {  	v8 =	vld [tilespmem:s15+$0xFFFFFFD0];
	v9 =	vbroadcast v4, $0x0;
	_ =	sdelay $0x1  }
0x79: {  	v10 =	vor.u32 v0, v9;
	_ =	sdelay $0x2  }
0x7a: {  	v7 =	vld [tilespmem:s17+$0x6410];
	v8 =	vadd.f32 v8, v6  }
0x7b: {  	v5 =	vld [tilespmem:s17+$0x6420]  }
0x7c: {  	v4 =	vld [tilespmem:s17+$0x6430];
	[tilespmem:v10+s22+$0x0] =	vst.idx.msk $0xffff, v8  }
0x7d: {  	v8 =	vld [tilespmem:s15+$0xFFFFFFE0];
	_ =	sdelay $0x1  }
0x7e: {  	v10 =	vor.u32 v1, v9;
	_ =	sdelay $0x2  }
0x7f: {  	v8 =	vadd.f32 v8, v7;
	_ =	sdelay $0x1  }
0x80: {  	[tilespmem:v10+s22+$0x0] =	vst.idx.msk $0xffff, v8  }
0x81: {  	v8 =	vld [tilespmem:s15+$0xFFFFFFF0];
	_ =	sdelay $0x1  }
0x82: {  	v10 =	vor.u32 v2, v9;
	_ =	sdelay $0x2  }
0x83: {  	v8 =	vadd.f32 v8, v5;
	_ =	sdelay $0x1  }
0x84: {  	[tilespmem:v10+s22+$0x0] =	vst.idx.msk $0xffff, v8  }
0x85: {  	v10 =	vld [tilespmem:s15+$0x0];
	_ =	sdelay $0x1  }
0x86: {  	v8 =	vor.u32 v3, v9;
	_ =	sdelay $0x1  }
0x87: {  	s17 =	simm.s32 $0x1  }
0x88: {  	s16 =	simm.s32 $0x2;
	v9 =	vadd.f32 v10, v4;
	v10 =	vmov s17  }
.LBB2_7:
0x89: {  	p2 =	sne.s32 s16, $0x7F  }
0x8a: {  	v10 =	vand.u32 $0x7F, v10;
	[tilespmem:v8+s22+$0x0] =	vst.idx.msk $0xffff, v9;
	s15 =	sadd.s32 $0x40, s15;
	s17 =	smov.u32 s16;
	s16 =	sadd.s32 $0x1, s16  }
0x8b: {  	v8 =	vld [tilespmem:s15+$0xFFFFFFD0];
	v9 =	vbroadcast v10, $0x0;
	_ =	sdelay $0x1  }
0x8c: {  	v10 =	vor.u32 v0, v9;
	_ =	sdelay $0x2  }
0x8d: {  	v8 =	vadd.f32 v8, v6;
	_ =	sdelay $0x1  }
0x8e: {  	[tilespmem:v10+s22+$0x0] =	vst.idx.msk $0xffff, v8  }
0x8f: {  	v8 =	vld [tilespmem:s15+$0xFFFFFFE0];
	_ =	sdelay $0x1  }
0x90: {  	v10 =	vor.u32 v1, v9;
	_ =	sdelay $0x2  }
0x91: {  	v8 =	vadd.f32 v8, v7;
	_ =	sdelay $0x1  }
0x92: {  	[tilespmem:v10+s22+$0x0] =	vst.idx.msk $0xffff, v8  }
0x93: {  	v8 =	vld [tilespmem:s15+$0xFFFFFFF0];
	_ =	sdelay $0x1  }
0x94: {  	v10 =	vor.u32 v2, v9;
	_ =	sdelay $0x2  }
0x95: {  	v8 =	vadd.f32 v8, v5;
	_ =	sdelay $0x1  }
0x96: {  	[tilespmem:v10+s22+$0x0] =	vst.idx.msk $0xffff, v8  }
0x97: {  	v10 =	vld [tilespmem:s15+$0x0];
	_ =	sdelay $0x1  }
.Ltmp4:
0x98: {  	v8 =	vor.u32 v3, v9;
	(pc) =	sbr.rel @p2 .LBB2_7-.Ltmp4, $3  }
0x99: {  	_ =	sdelay $0x1  }
0x9a: {  	v9 =	vadd.f32 v10, v4  }
0x9b: {  	v10 =	vmov s17  }
0x9c: {  	_ =	sdelay $0x3  }
0x9d: {  	v10 =	vand.u32 $0x7F, v10;
	[tilespmem:v8+s22+$0x0] =	vst.idx.msk $0xffff, v9;
	s15 =	sadd.s32 $0x40, s15  }
0x9e: {  	v8 =	vld [tilespmem:s15+$0xFFFFFFD0];
	v60 =	vbroadcast v10, $0x0;
	_ =	sdelay $0x1  }
0x9f: {  	v10 =	vor.u32 v0, v60;
	_ =	sdelay $0x2  }
0xa0: {  	v6 =	vadd.f32 v8, v6;
	_ =	sdelay $0x1  }
0xa1: {  	[tilespmem:v10+s22+$0x0] =	vst.idx.msk $0xffff, v6  }
0xa2: {  	v6 =	vld [tilespmem:s15+$0xFFFFFFE0];
	_ =	sdelay $0x1  }
0xa3: {  	v61 =	vor.u32 v1, v60;
	_ =	sdelay $0x2  }
0xa4: {  	v6 =	vadd.f32 v6, v7;
	_ =	sdelay $0x1  }
0xa5: {  	[tilespmem:v61+s22+$0x0] =	vst.idx.msk $0xffff, v6  }
0xa6: {  	v6 =	vld [tilespmem:s15+$0xFFFFFFF0];
	_ =	sdelay $0x1  }
0xa7: {  	v62 =	vor.u32 v2, v60;
	_ =	sdelay $0x2  }
0xa8: {  	v5 =	vadd.f32 v6, v5;
	_ =	sdelay $0x1  }
0xa9: {  	[tilespmem:v62+s22+$0x0] =	vst.idx.msk $0xffff, v5  }
0xaa: {  	v5 =	vld [tilespmem:s15+$0x0];
	_ =	sdelay $0x1  }
0xab: {  	v63 =	vor.u32 v3, v60;
	_ =	sdelay $0x1  }
0xac: {  	s14 =	sshll.u32 s14, $0x12  }
0xad: {  	s14 =	sor.u32 s4, s14;
	v4 =	vadd.f32 v5, v4  }
0xae: {  	s14 =	sshrl.u32 s14, $0x3  }
.Ltmp5:
0xaf: {  	s14 =	sadd.s32 s6, s14;
	[tilespmem:v63+s22+$0x0] =	vst.idx.msk $0xffff, v4;
	(pc) =	sbr.rel @!p1 .LBB2_10-.Ltmp5, $4  }
0xb0: {  	[hbm4b:s14+s9] =	stream.strided.scatter [tilespmem:s22], [sflag:$0x6], $0x2000, s10, s9, $0x38;
	[tilespmem:$0x19600] =	vst v63  }
0xb1: {  	s16 =	simm.s32 @!p0 $0xB600;
	s15 =	simm.s32 @!p0 $0x80;
	s14 =	sadd.s32 @!p0 $0x280, s13  }
0xb2: {  	[tilespmem:s16], [sflag:$0x2] =	stream.indirect.gather @!p0 [hbm4b:s3+s15], $0x40, s14, s15, $0xb8;
	[tilespmem:$0x19600] =	vst v63  }
0xb3: {  	s14 =	sor.u32 @!p0 $0x2, s12  }
0xb4: {  	_ =	swait.ge [sflag:s30], $0x2000  }
0xb5: {  	[sflag:s30] =	ssyncset.done $0x0  }
0xb6: {  	s14 =	simm.s32 @p0 $0xC6;
	[sflag:s30] =	ssyncadd.s32 $0xFFFFE000  }
.LBB2_10:
0xb7: {  	_ =	swait.ge [sflag:s23], $0x2000  }
0xb8: {  	s15 =	sshll.u32 s14, $0x8;
	s16 =	simm.s32 $0x0;
	[sflag:s23] =	ssyncset.done $0x0  }
0xb9: {  	s17 =	sshra.s32 s15, $0x2;
	v4 =	vmov s16;
	[sflag:s23] =	ssyncadd.s32 $0xFFFFE000  }
0xba: {  	s15 =	simm.s32 $0xD600;
	v4 =	vand.u32 $0x7F, v4;
	v6 =	vld [tilespmem:s17+$0x6400]  }
0xbb: {  	v8 =	vld [tilespmem:s15+$0x0];
	v9 =	vbroadcast v4, $0x0;
	_ =	sdelay $0x1  }
0xbc: {  	v10 =	vor.u32 v0, v9;
	_ =	sdelay $0x2  }
0xbd: {  	v7 =	vld [tilespmem:s17+$0x6410];
	v8 =	vadd.f32 v8, v6  }
0xbe: {  	v5 =	vld [tilespmem:s17+$0x6420]  }
0xbf: {  	v4 =	vld [tilespmem:s17+$0x6430];
	[tilespmem:v10+s24+$0x0] =	vst.idx.msk $0xffff, v8  }
0xc0: {  	v8 =	vld [tilespmem:s15+$0x10];
	_ =	sdelay $0x1  }
0xc1: {  	v10 =	vor.u32 v1, v9;
	_ =	sdelay $0x2  }
0xc2: {  	v8 =	vadd.f32 v8, v7;
	_ =	sdelay $0x1  }
0xc3: {  	[tilespmem:v10+s24+$0x0] =	vst.idx.msk $0xffff, v8  }
0xc4: {  	v8 =	vld [tilespmem:s15+$0x20];
	_ =	sdelay $0x1  }
0xc5: {  	v10 =	vor.u32 v2, v9;
	_ =	sdelay $0x2  }
0xc6: {  	v8 =	vadd.f32 v8, v5;
	_ =	sdelay $0x1  }
0xc7: {  	[tilespmem:v10+s24+$0x0] =	vst.idx.msk $0xffff, v8  }
0xc8: {  	v10 =	vld [tilespmem:s15+$0x30];
	_ =	sdelay $0x1  }
0xc9: {  	v8 =	vor.u32 v3, v9;
	_ =	sdelay $0x1  }
0xca: {  	s17 =	simm.s32 $0x1  }
0xcb: {  	s16 =	simm.s32 $0x2;
	v9 =	vadd.f32 v10, v4;
	v10 =	vmov s17  }
.LBB2_11:
0xcc: {  	p2 =	sne.s32 s16, $0x7F  }
0xcd: {  	v10 =	vand.u32 $0x7F, v10;
	[tilespmem:v8+s24+$0x0] =	vst.idx.msk $0xffff, v9;
	s15 =	sadd.s32 $0x40, s15;
	s17 =	smov.u32 s16;
	s16 =	sadd.s32 $0x1, s16  }
0xce: {  	v8 =	vld [tilespmem:s15+$0x0];
	v9 =	vbroadcast v10, $0x0;
	_ =	sdelay $0x1  }
0xcf: {  	v10 =	vor.u32 v0, v9;
	_ =	sdelay $0x2  }
0xd0: {  	v8 =	vadd.f32 v8, v6;
	_ =	sdelay $0x1  }
0xd1: {  	[tilespmem:v10+s24+$0x0] =	vst.idx.msk $0xffff, v8  }
0xd2: {  	v8 =	vld [tilespmem:s15+$0x10];
	_ =	sdelay $0x1  }
0xd3: {  	v10 =	vor.u32 v1, v9;
	_ =	sdelay $0x2  }
0xd4: {  	v8 =	vadd.f32 v8, v7;
	_ =	sdelay $0x1  }
0xd5: {  	[tilespmem:v10+s24+$0x0] =	vst.idx.msk $0xffff, v8  }
0xd6: {  	v8 =	vld [tilespmem:s15+$0x20];
	_ =	sdelay $0x1  }
0xd7: {  	v10 =	vor.u32 v2, v9;
	_ =	sdelay $0x2  }
0xd8: {  	v8 =	vadd.f32 v8, v5;
	_ =	sdelay $0x1  }
0xd9: {  	[tilespmem:v10+s24+$0x0] =	vst.idx.msk $0xffff, v8  }
0xda: {  	v10 =	vld [tilespmem:s15+$0x30];
	_ =	sdelay $0x1  }
.Ltmp6:
0xdb: {  	v8 =	vor.u32 v3, v9;
	(pc) =	sbr.rel @p2 .LBB2_11-.Ltmp6, $3  }
0xdc: {  	_ =	sdelay $0x1  }
0xdd: {  	v9 =	vadd.f32 v10, v4  }
0xde: {  	v10 =	vmov s17  }
0xdf: {  	_ =	sdelay $0x3  }
0xe0: {  	v10 =	vand.u32 $0x7F, v10;
	[tilespmem:v8+s24+$0x0] =	vst.idx.msk $0xffff, v9;
	s15 =	sadd.s32 $0x40, s15  }
0xe1: {  	v8 =	vld [tilespmem:s15+$0x0];
	v60 =	vbroadcast v10, $0x0;
	_ =	sdelay $0x1  }
0xe2: {  	v10 =	vor.u32 v0, v60;
	_ =	sdelay $0x2  }
0xe3: {  	v6 =	vadd.f32 v8, v6;
	_ =	sdelay $0x1  }
0xe4: {  	[tilespmem:v10+s24+$0x0] =	vst.idx.msk $0xffff, v6  }
0xe5: {  	v6 =	vld [tilespmem:s15+$0x10];
	_ =	sdelay $0x1  }
0xe6: {  	v61 =	vor.u32 v1, v60;
	_ =	sdelay $0x2  }
0xe7: {  	v6 =	vadd.f32 v6, v7;
	_ =	sdelay $0x1  }
0xe8: {  	[tilespmem:v61+s24+$0x0] =	vst.idx.msk $0xffff, v6  }
0xe9: {  	v6 =	vld [tilespmem:s15+$0x20];
	_ =	sdelay $0x1  }
0xea: {  	v62 =	vor.u32 v2, v60;
	_ =	sdelay $0x2  }
0xeb: {  	v5 =	vadd.f32 v6, v5;
	_ =	sdelay $0x1  }
0xec: {  	[tilespmem:v62+s24+$0x0] =	vst.idx.msk $0xffff, v5  }
0xed: {  	v5 =	vld [tilespmem:s15+$0x30];
	_ =	sdelay $0x1  }
0xee: {  	v63 =	vor.u32 v3, v60;
	_ =	sdelay $0x1  }
0xef: {  	s14 =	sshll.u32 s14, $0x12  }
0xf0: {  	s14 =	sor.u32 s4, s14;
	v4 =	vadd.f32 v5, v4  }
.Ltmp7:
0xf1: {  	s14 =	sshrl.u32 s14, $0x3;
	(pc) =	sbr.rel @!p1 .LBB2_14-.Ltmp7, $4  }
0xf2: {  	s13 =	sadd.s32 @!p0 $0x300, s13;
	s14 =	sadd.s32 s6, s14;
	[tilespmem:v63+s24+$0x0] =	vst.idx.msk $0xffff, v4  }
0xf3: {  	[hbm4b:s14+s9] =	stream.strided.scatter [tilespmem:s24], [sflag:$0x7], $0x2000, s10, s9, $0x38;
	[tilespmem:$0x19600] =	vst v63  }
0xf4: {  	s12 =	sor.u32 @!p0 $0x3, s12;
	s15 =	simm.s32 @!p0 $0xD600;
	s14 =	simm.s32 @!p0 $0x80  }
0xf5: {  	[tilespmem:s15], [sflag:$0x3] =	stream.indirect.gather @!p0 [hbm4b:s3+s14], $0x40, s13, s14, $0xb8;
	[tilespmem:$0x19600] =	vst v63  }
0xf6: {  	_ =	swait.ge [sflag:s31], $0x2000  }
0xf7: {  	[sflag:s31] =	ssyncset.done $0x0  }
0xf8: {  	s12 =	simm.s32 @p0 $0xC7;
	[sflag:s31] =	ssyncadd.s32 $0xFFFFE000  }
.LBB2_14:
0xf9: {  	_ =	swait.ge [sflag:s25], $0x2000  }
0xfa: {  	s13 =	sshll.u32 s12, $0x8;
	s14 =	simm.s32 $0x0;
	[sflag:s25] =	ssyncset.done $0x0  }
0xfb: {  	s15 =	sshra.s32 s13, $0x2;
	v4 =	vmov s14;
	[sflag:s25] =	ssyncadd.s32 $0xFFFFE000  }
0xfc: {  	s13 =	simm.s32 $0xF600;
	v4 =	vand.u32 $0x7F, v4;
	v6 =	vld [tilespmem:s15+$0x6400]  }
0xfd: {  	v8 =	vld [tilespmem:s13+$0x0];
	v9 =	vbroadcast v4, $0x0;
	_ =	sdelay $0x1  }
0xfe: {  	v10 =	vor.u32 v0, v9;
	_ =	sdelay $0x2  }
0xff: {  	v7 =	vld [tilespmem:s15+$0x6410];
	v8 =	vadd.f32 v8, v6  }
0x100: {  	v5 =	vld [tilespmem:s15+$0x6420]  }
0x101: {  	v4 =	vld [tilespmem:s15+$0x6430];
	[tilespmem:v10+s26+$0x0] =	vst.idx.msk $0xffff, v8  }
0x102: {  	v8 =	vld [tilespmem:s13+$0x10];
	_ =	sdelay $0x1  }
0x103: {  	v10 =	vor.u32 v1, v9;
	_ =	sdelay $0x2  }
0x104: {  	v8 =	vadd.f32 v8, v7;
	_ =	sdelay $0x1  }
0x105: {  	[tilespmem:v10+s26+$0x0] =	vst.idx.msk $0xffff, v8  }
0x106: {  	v8 =	vld [tilespmem:s13+$0x20];
	_ =	sdelay $0x1  }
0x107: {  	v10 =	vor.u32 v2, v9;
	_ =	sdelay $0x2  }
0x108: {  	v8 =	vadd.f32 v8, v5;
	_ =	sdelay $0x1  }
0x109: {  	[tilespmem:v10+s26+$0x0] =	vst.idx.msk $0xffff, v8  }
0x10a: {  	v10 =	vld [tilespmem:s13+$0x30];
	_ =	sdelay $0x1  }
0x10b: {  	v8 =	vor.u32 v3, v9;
	_ =	sdelay $0x1  }
0x10c: {  	s17 =	simm.s32 $0x1  }
0x10d: {  	s14 =	simm.s32 $0x2;
	v9 =	vadd.f32 v10, v4;
	v10 =	vmov s17  }
.LBB2_15:
0x10e: {  	p1 =	sne.s32 s14, $0x7F  }
0x10f: {  	v10 =	vand.u32 $0x7F, v10;
	[tilespmem:v8+s26+$0x0] =	vst.idx.msk $0xffff, v9;
	s13 =	sadd.s32 $0x40, s13;
	s15 =	smov.u32 s14;
	s14 =	sadd.s32 $0x1, s14  }
0x110: {  	v8 =	vld [tilespmem:s13+$0x0];
	v9 =	vbroadcast v10, $0x0;
	_ =	sdelay $0x1  }
0x111: {  	v10 =	vor.u32 v0, v9;
	_ =	sdelay $0x2  }
0x112: {  	v8 =	vadd.f32 v8, v6;
	_ =	sdelay $0x1  }
0x113: {  	[tilespmem:v10+s26+$0x0] =	vst.idx.msk $0xffff, v8  }
0x114: {  	v8 =	vld [tilespmem:s13+$0x10];
	_ =	sdelay $0x1  }
0x115: {  	v10 =	vor.u32 v1, v9;
	_ =	sdelay $0x2  }
0x116: {  	v8 =	vadd.f32 v8, v7;
	_ =	sdelay $0x1  }
0x117: {  	[tilespmem:v10+s26+$0x0] =	vst.idx.msk $0xffff, v8  }
0x118: {  	v8 =	vld [tilespmem:s13+$0x20];
	_ =	sdelay $0x1  }
0x119: {  	v10 =	vor.u32 v2, v9;
	_ =	sdelay $0x2  }
0x11a: {  	v8 =	vadd.f32 v8, v5;
	_ =	sdelay $0x1  }
0x11b: {  	[tilespmem:v10+s26+$0x0] =	vst.idx.msk $0xffff, v8  }
0x11c: {  	v10 =	vld [tilespmem:s13+$0x30];
	_ =	sdelay $0x1  }
.Ltmp8:
0x11d: {  	v8 =	vor.u32 v3, v9;
	(pc) =	sbr.rel @p1 .LBB2_15-.Ltmp8, $3  }
0x11e: {  	_ =	sdelay $0x1  }
0x11f: {  	v9 =	vadd.f32 v10, v4  }
0x120: {  	v10 =	vmov s15  }
0x121: {  	_ =	sdelay $0x3  }
0x122: {  	v10 =	vand.u32 $0x7F, v10;
	[tilespmem:v8+s26+$0x0] =	vst.idx.msk $0xffff, v9;
	s13 =	sadd.s32 $0x40, s13  }
0x123: {  	v8 =	vld [tilespmem:s13+$0x0];
	v60 =	vbroadcast v10, $0x0;
	_ =	sdelay $0x1  }
0x124: {  	v10 =	vor.u32 v0, v60;
	_ =	sdelay $0x2  }
0x125: {  	v6 =	vadd.f32 v8, v6;
	_ =	sdelay $0x1  }
0x126: {  	[tilespmem:v10+s26+$0x0] =	vst.idx.msk $0xffff, v6  }
0x127: {  	v6 =	vld [tilespmem:s13+$0x10];
	_ =	sdelay $0x1  }
0x128: {  	v61 =	vor.u32 v1, v60;
	_ =	sdelay $0x2  }
0x129: {  	v6 =	vadd.f32 v6, v7;
	_ =	sdelay $0x1  }
0x12a: {  	[tilespmem:v61+s26+$0x0] =	vst.idx.msk $0xffff, v6  }
0x12b: {  	v6 =	vld [tilespmem:s13+$0x20];
	_ =	sdelay $0x1  }
0x12c: {  	v62 =	vor.u32 v2, v60;
	_ =	sdelay $0x2  }
0x12d: {  	v5 =	vadd.f32 v6, v5;
	_ =	sdelay $0x1  }
0x12e: {  	[tilespmem:v62+s26+$0x0] =	vst.idx.msk $0xffff, v5  }
0x12f: {  	v5 =	vld [tilespmem:s13+$0x30];
	_ =	sdelay $0x1  }
0x130: {  	v63 =	vor.u32 v3, v60;
	_ =	sdelay $0x1  }
.Ltmp9:
0x131: {  	s12 =	sshll.u32 s12, $0x12;
	(pc) =	sbr.rel @p0 .LBB2_18-.Ltmp9, $4  }
0x132: {  	s12 =	sor.u32 s4, s12;
	v4 =	vadd.f32 v5, v4  }
0x133: {  	s12 =	sshrl.u32 s12, $0x3  }
0x134: {  	s12 =	sadd.s32 s6, s12;
	[tilespmem:v63+s26+$0x0] =	vst.idx.msk $0xffff, v4  }
0x135: {  	[hbm4b:s12+s9] =	stream.strided.scatter [tilespmem:s26], [sflag:$0x8], $0x2000, s10, s9, $0x38;
	[tilespmem:$0x19600] =	vst v63  }
.Ltmp10:
0x136: {  	(pc) =	sbr.rel .LBB2_2-.Ltmp10, $4  }
0x137: {  	s12 =	sshll.u32 s1, $0x9  }
0x138: {  	s12 =	sand.u32 $0x3FFFFE00, s12  }
0x139: {  	s1 =	sadd.s32 $0x1, s1;
	s12 =	sadd.s32 $0x380, s12  }
0x13a: {  	[tilespmem:s18], [sflag:$0x4] =	stream.indirect.gather [hbm4b:s3+s9], $0x40, s12, s9, $0xb8;
	[tilespmem:$0x19600] =	vst v63  }
.LBB2_19:
0x13b: {  	_ =	sfence.sel $0x180000  }
0x13c: {  	[bflag:$0x0] =	sbarrier.arrive $0xFFFF  }
0x13d: {  	_ =	strace $0x90000047  }
0x13e: {  	s0 =	stileid.u32;
	[bflag:$0x2] =	sbarrier.arrive $0xFFFF  }
0x13f: {  	p0 =	sne.s32 s0, $0x0;
	s0 =	rddreg [dreg:$0x2]  }
0x140: {  	s0 =	sadd.s32 @!p0 $0x100000, s0  }
0x141: {  	[sflag:s0] =	ssyncadd.tile.s32 @!p0 $0x1;
	_ =	shalt  }
.Lfunc_end2:
_tile_overlayer_lowered:
.L_overlay_start_2:
0x142: {  	(tag) =	ssettag $0x2  }
0x143: {  	s0 =	rddreg [dreg:$0x0];
	s2 =	stileid.u32  }
0x144: {  	s1 =	rddreg [dreg:$0x1];
	p0 =	sne.s32 s2, $0x0  }
0x145: {  	s3 =	rddreg [dreg:$0x2];
	[bflag:$0x3] =	sbarrier.arrive $0xFFFF;
	s2 =	simm.s32 @!p0 $0x1C09  }
0x146: {  	[timem:s3], [sflag:s2] =	dma.local @!p0 [hbm:s0], s1  }
0x147: {  	s0 =	simm.s32 @!p0 $0x9  }
0x148: {  	_ =	swait.ge @!p0 [sflag:s0], s1  }
0x149: {  	s1 =	ssub.s32 @!p0 $0x0, s1;
	[sflag:s0] =	ssyncset.done @!p0 $0x0  }
0x14a: {  	[sflag:s0] =	ssyncadd.s32 @!p0 s1  }
0x14b: {  	[bflag:$0x3] =	sbarrier.arrive $0xFFFF  }
0x14c: {  	_ =	shalt  }

</sc_bundles>
